<compile_context>
chip_gen: v7x
topology: tpu7x:2x2x1
jax: 0.10.2.dev20260603
libtpu: 0.0.44.dev20260713+nightly
codegen_flags: <defaults>
</compile_context>

<pallas_src>
import jax
import jax.numpy as jnp
from jax.experimental import pallas as pl
from jax.experimental.pallas import tpu as pltpu

_IOU_T = 0.3
_SCORE_T = 0.5
_B = 512


def _nms_pull_kernel(cols_ref, rows_ref, valid_ref, dets_ref, kept_s, g_s):
    k = pl.program_id(0)
    B = cols_ref.shape[2]

    @pl.when(k == 0)
    def _init():
        kept_s[...] = jnp.zeros_like(kept_s)
        g_s[0] = 0

    cc = cols_ref[k]
    x1c = cc[0:1]
    y1c = cc[1:2]
    x2c = cc[2:3]
    y2c = cc[3:4]
    ac = jnp.maximum(x2c - x1c, 0.0) * jnp.maximum(y2c - y1c, 0.0)

    def iou_gt_rows(rows):
        x1r = rows[:, 0:1]
        y1r = rows[:, 1:2]
        x2r = rows[:, 2:3]
        y2r = rows[:, 3:4]
        ar = jnp.maximum(x2r - x1r, 0.0) * jnp.maximum(y2r - y1r, 0.0)
        xx1 = jnp.maximum(x1r, x1c)
        yy1 = jnp.maximum(y1r, y1c)
        xx2 = jnp.minimum(x2r, x2c)
        yy2 = jnp.minimum(y2r, y2c)
        inter = jnp.maximum(xx2 - xx1, 0.0) * jnp.maximum(yy2 - yy1, 0.0)
        iou = inter / (ar + ac - inter + 1e-9)
        return (iou > _IOU_T).astype(jnp.float32)

    def mm(a, b):
        return jax.lax.dot_general(
            a, b, (((1,), (0,)), ((), ())),
            preferred_element_type=jnp.float32,
            precision=jax.lax.Precision.HIGHEST,
        )

    ones_row = jnp.ones((1, B), jnp.float32)

    @pl.when(jnp.any(valid_ref[k] > 0.0))
    def _process():
        g = g_s[0]
        nch = (g + B - 1) // B

        def chunk_body(j, sup):
            return sup + mm(ones_row, iou_gt_rows(kept_s[j]))

        sup = jax.lax.fori_loop(0, nch, chunk_body,
                                jnp.zeros((1, B), jnp.float32))
        alive = jnp.where(sup > 0.0, 0.0, valid_ref[k])

        M = iou_gt_rows(rows_ref[k])
        rix = jax.lax.broadcasted_iota(jnp.int32, (B, B), 0)
        cix = jax.lax.broadcasted_iota(jnp.int32, (B, B), 1)
        M = jnp.where(rix < cix, M, 0.0)

        def cond(carry):
            return carry[1]

        def body(carry):
            K, _ = carry
            newK = jnp.where(mm(K, M) > 0.0, 0.0, alive)
            return newK, jnp.any(newK != K)

        K, _ = jax.lax.while_loop(cond, body, (alive, jnp.bool_(True)))

        dets_ref[0] = cc * K

        off = g - (g // B) * B
        cw = g // B
        lt = jnp.where(rix <= cix, 1.0, 0.0)
        psum = mm(K, lt)
        t = off + psum.astype(jnp.int32) - 1
        ci = jax.lax.broadcasted_iota(jnp.int32, (B, B), 0)
        sel1 = jnp.where((ci == t) & (K > 0.0), 1.0, 0.0)
        sel2 = jnp.where((ci + B == t) & (K > 0.0), 1.0, 0.0)
        br = rows_ref[k]
        kept_s[cw] = kept_s[cw] + mm(sel1, br)
        kept_s[cw + 1] = kept_s[cw + 1] + mm(sel2, br)
        g_s[0] = g + jnp.sum(K).astype(jnp.int32)

    @pl.when(jnp.logical_not(jnp.any(valid_ref[k] > 0.0)))
    def _dead():
        dets_ref[0] = jnp.zeros_like(dets_ref[0])


def kernel(boxes, scores):
    N = boxes.shape[0]
    nblk = (N + _B - 1) // _B
    Np = nblk * _B
    pad = Np - N

    order = jnp.argsort(-scores)
    b = jnp.take(boxes, order, axis=0)
    s = jnp.take(scores, order, axis=0)
    valid = (s > _SCORE_T).astype(jnp.float32)

    bp = jnp.pad(b, ((0, pad), (0, 0)))
    sp = jnp.pad(s, ((0, pad),))
    vp = jnp.pad(valid, ((0, pad),))

    cols = jnp.transpose(
        jnp.reshape(jnp.concatenate([bp, sp[:, None]], axis=1), (nblk, _B, 5)),
        (0, 2, 1))
    rows = jnp.reshape(bp, (nblk, _B, 4))
    v3 = jnp.reshape(vp, (nblk, 1, _B))

    out = pl.pallas_call(
        _nms_pull_kernel,
        grid=(nblk,),
        in_specs=[
            pl.BlockSpec((nblk, 5, _B), lambda k: (0, 0, 0)),
            pl.BlockSpec((nblk, _B, 4), lambda k: (0, 0, 0)),
            pl.BlockSpec((nblk, 1, _B), lambda k: (0, 0, 0)),
        ],
        out_specs=pl.BlockSpec((1, 5, _B), lambda k: (k, 0, 0)),
        out_shape=jax.ShapeDtypeStruct((nblk, 5, _B), jnp.float32),
        scratch_shapes=[
            pltpu.VMEM((nblk + 1, _B, 4), jnp.float32),
            pltpu.SMEM((1,), jnp.int32),
        ],
        compiler_params=pltpu.CompilerParams(
            dimension_semantics=("arbitrary",)),
    )(cols, rows, v3)

    dets_sorted = jnp.reshape(jnp.transpose(out, (0, 2, 1)), (Np, 5))[:N]
    return jnp.zeros((N, 5), boxes.dtype).at[order].set(dets_sorted)

# --- scband reference (transcript-rebuilt; emitter-appended) ---
"""Pipeline reference for scband-net-41317585388042 (READ-ONLY COPY).

The authoritative reference and input builder live on the scoring server;
editing this copy changes nothing except your own understanding.
"""

import jax, jax.numpy as jnp
import numpy as np

IOU_THRESH = 0.3
SCORE_THRESH = 0.5


def setup_inputs(seed: int = 0) -> dict:
    key = jax.random.key(seed)
    k1, k2, k3, k4 = jax.random.split(key, 4)
    N = 20000
    cx = jax.random.uniform(k1, (N,), minval=0.0, maxval=1024.0)
    cy = jax.random.uniform(k2, (N,), minval=0.0, maxval=1024.0)
    wh = jax.random.uniform(k3, (N, 2), minval=8.0, maxval=128.0)
    boxes = jnp.stack([cx - wh[:, 0] / 2, cy - wh[:, 1] / 2,
                       cx + wh[:, 0] / 2, cy + wh[:, 1] / 2], axis=1)
    boxes = jnp.clip(boxes, 0.0, 1024.0)
    scores = jax.random.uniform(k4, (N,), minval=0.0, maxval=1.0)
    return {"boxes": boxes, "scores": scores}


def _compute_keep(boxes, scores):
    # Greedy NMS, faithful to dp.py_cpu_nms: sort by score desc, walk the
    # sorted list, suppress lower-scored boxes with IoU > thresh against any
    # kept box. Candidates below SCORE_THRESH are pre-filtered (cls_score > threshold
    # in the original RPN.forward).
    N = boxes.shape[0]
    order = jnp.argsort(-scores)
    b = jnp.take(boxes, order, axis=0)
    s = jnp.take(scores, order, axis=0)
    areas = jnp.maximum(b[:, 2] - b[:, 0], 0.0) * jnp.maximum(b[:, 3] - b[:, 1], 0.0)
    idx = jnp.arange(N)
    valid = s > SCORE_THRESH

    def body(i, keep):
        xx1 = jnp.maximum(b[i, 0], b[:, 0])
        yy1 = jnp.maximum(b[i, 1], b[:, 1])
        xx2 = jnp.minimum(b[i, 2], b[:, 2])
        yy2 = jnp.minimum(b[i, 3], b[:, 3])
        inter = jnp.maximum(xx2 - xx1, 0.0) * jnp.maximum(yy2 - yy1, 0.0)
        iou = inter / (areas[i] + areas - inter + 1e-9)
        suppress = (iou > IOU_THRESH) & (idx > i) & keep[i]
        return keep & (~suppress)

    keep_sorted = jax.lax.fori_loop(0, N, body, valid)
    # scatter the keep decisions back to original candidate order
    keep = jnp.zeros((N,), dtype=bool).at[order].set(keep_sorted)
    return keep


def reference(boxes, scores):
    keep = _compute_keep(boxes, scores)
    dets = jnp.concatenate([boxes, scores[:, None]], axis=1)
    return dets * keep[:, None].astype(boxes.dtype)

if __name__ == "__main__":
    import jax
    _d = setup_inputs()
    print(jax.jit(kernel)(*tuple(_d.values())))

</pallas_src>

<mosaic_0001>
module attributes {stable_mosaic.version = 14 : i64} {
  func.func @_nms_pull_kernel(%arg0: i32, %arg1: memref<40x5x512xf32, #tpu.memory_space<vmem>>, %arg2: memref<40x512x4xf32, #tpu.memory_space<vmem>>, %arg3: memref<40x1x512xf32, #tpu.memory_space<vmem>>, %arg4: memref<1x5x512xf32, #tpu.memory_space<vmem>>, %arg5: memref<41x512x4xf32, #tpu.memory_space<vmem>>, %arg6: memref<1xi32, #tpu.memory_space<smem>>) attributes {dimension_semantics = [#tpu.dimension_semantics<arbitrary>], iteration_bounds = array<i64: 40>, scalar_prefetch = 0 : i64, scratch_operands = 2 : i64, tpu.core_type = #tpu.core_type<tc>, window_params = [{pipeline_mode = #tpu.pipeline_mode<synchronous>, transform_indices = @transform_0, window_bounds = array<i64: 40, 5, 512>}, {pipeline_mode = #tpu.pipeline_mode<synchronous>, transform_indices = @transform_1, window_bounds = array<i64: 40, 512, 4>}, {pipeline_mode = #tpu.pipeline_mode<synchronous>, transform_indices = @transform_2, window_bounds = array<i64: 40, 1, 512>}, {transform_indices = @transform_3, window_bounds = array<i64: 1, 5, 512>}]} {
    %eq3A = arith.constant 0 : i32
    %eq3A_0 = arith.cmpi eq, %arg0, %eq3A : i32
    %convert_element_type3A = arith.extui %eq3A_0 : i1 to i32
    %cond3A = arith.constant 0 : i32
    %cond3A_1 = arith.cmpi ne, %convert_element_type3A, %cond3A : i32
    scf.if %cond3A_1 {
      %broadcast_in_dim3A_61 = arith.constant 0.000000e+00 : f32
      %broadcast_in_dim3A_62 = vector.broadcast %broadcast_in_dim3A_61 : f32 to vector<41x512x4xf32>
      %swap3A = arith.constant 0 : index
      %swap3A_63 = arith.constant 0 : index
      %swap3A_64 = arith.constant 0 : index
      %swap3A_65 = vector.load %arg5[%swap3A, %swap3A_63, %swap3A_64] : memref<41x512x4xf32, #tpu.memory_space<vmem>>, vector<41x512x4xf32>
      tpu.vector_store %arg5[%swap3A, %swap3A_63, %swap3A_64], %broadcast_in_dim3A_62 {strides = array<i32>} : memref<41x512x4xf32, #tpu.memory_space<vmem>>, vector<41x512x4xf32>,
      %swap3A_66 = arith.constant 0 : i32
      %swap3A_67 = arith.constant 0 : index
      %swap3A_68 = memref.load %arg6[%swap3A_67] : memref<1xi32, #tpu.memory_space<smem>>
      memref.store %swap3A_66, %arg6[%swap3A_67] : memref<1xi32, #tpu.memory_space<smem>>
    } else {
    }
    %get3A = arith.index_cast %arg0 : i32 to index
    %get3A_2 = arith.constant 0 : index
    %get3A_3 = arith.constant 0 : index
    %get3A_4 = vector.load %arg1[%get3A, %get3A_2, %get3A_3] : memref<40x5x512xf32, #tpu.memory_space<vmem>>, vector<1x5x512xf32>
    %get3A_5 = vector.shape_cast %get3A_4 : vector<1x5x512xf32> to vector<5x512xf32>
    %slice3A = vector.extract_strided_slice %get3A_5 {offsets = [0, 0], sizes = [1, 512], strides = [1, 1]} : vector<5x512xf32> to vector<1x512xf32>
    %slice3A_6 = vector.extract_strided_slice %get3A_5 {offsets = [1, 0], sizes = [1, 512], strides = [1, 1]} : vector<5x512xf32> to vector<1x512xf32>
    %slice3A_7 = vector.extract_strided_slice %get3A_5 {offsets = [2, 0], sizes = [1, 512], strides = [1, 1]} : vector<5x512xf32> to vector<1x512xf32>
    %slice3A_8 = vector.extract_strided_slice %get3A_5 {offsets = [3, 0], sizes = [1, 512], strides = [1, 1]} : vector<5x512xf32> to vector<1x512xf32>
    %sub3A = arith.subf %slice3A_7, %slice3A : vector<1x512xf32>
    %max3A = arith.constant 0.000000e+00 : f32
    %max3A_9 = vector.broadcast %max3A : f32 to vector<1x512xf32>
    %max3A_10 = arith.maximumf %sub3A, %max3A_9 : vector<1x512xf32>
    %sub3A_11 = arith.subf %slice3A_8, %slice3A_6 : vector<1x512xf32>
    %max3A_12 = arith.constant 0.000000e+00 : f32
    %max3A_13 = vector.broadcast %max3A_12 : f32 to vector<1x512xf32>
    %max3A_14 = arith.maximumf %sub3A_11, %max3A_13 : vector<1x512xf32>
    %mul3A = arith.mulf %max3A_10, %max3A_14 : vector<1x512xf32>
    %broadcast_in_dim3A = arith.constant 1.000000e+00 : f32
    %broadcast_in_dim3A_15 = vector.broadcast %broadcast_in_dim3A : f32 to vector<1x512xf32>
    %get3A_16 = arith.index_cast %arg0 : i32 to index
    %get3A_17 = arith.constant 0 : index
    %get3A_18 = arith.constant 0 : index
    %get3A_19 = vector.load %arg3[%get3A_16, %get3A_17, %get3A_18] : memref<40x1x512xf32, #tpu.memory_space<vmem>>, vector<1x1x512xf32>
    %get3A_20 = vector.shape_cast %get3A_19 : vector<1x1x512xf32> to vector<1x512xf32>
    %gt3A = arith.constant 0.000000e+00 : f32
    %gt3A_21 = vector.broadcast %gt3A : f32 to vector<1x512xf32>
    %gt3A_22 = arith.cmpf ogt, %get3A_20, %gt3A_21 : vector<1x512xf32>
    %reduce_or3A = arith.constant 1.000000e+00 : f32
    %reduce_or3A_23 = arith.constant 0.000000e+00 : f32
    %reduce_or3A_24 = vector.broadcast %reduce_or3A : f32 to vector<1x512xf32>
    %reduce_or3A_25 = vector.broadcast %reduce_or3A_23 : f32 to vector<1x512xf32>
    %reduce_or3A_26 = arith.select %gt3A_22, %reduce_or3A_24, %reduce_or3A_25 : vector<1x512xi1>, vector<1x512xf32>
    %reduce_or3A_27 = vector.shape_cast %reduce_or3A_26 : vector<1x512xf32> to vector<1x1x512xf32>
    %reduce_or3A_28 = arith.constant dense<0xFF800000> : vector<1xf32>
    %reduce_or3A_29 = vector.multi_reduction <maximumf>, %reduce_or3A_27, %reduce_or3A_28 [1, 2] : vector<1x1x512xf32> to vector<1xf32>
    %reduce_or3A_30 = vector.shape_cast %reduce_or3A_29 : vector<1xf32> to vector<1x1x1xf32>
    %reduce_or3A_31 = vector.extract %reduce_or3A_30[0, 0, 0] : f32 from vector<1x1x1xf32>
    %reduce_or3A_32 = arith.constant 0.000000e+00 : f32
    %reduce_or3A_33 = arith.cmpf ogt, %reduce_or3A_31, %reduce_or3A_32 : f32
    %convert_element_type3A_34 = arith.extui %reduce_or3A_33 : i1 to i32
    %cond3A_35 = arith.constant 0 : i32
    %cond3A_36 = arith.cmpi ne, %convert_element_type3A_34, %cond3A_35 : i32
    scf.if %cond3A_36 {
      %get3A_61 = arith.constant 0 : index
      %get3A_62 = memref.load %arg6[%get3A_61] : memref<1xi32, #tpu.memory_space<smem>>
      %add3A = arith.constant 512 : i32
      %add3A_63 = arith.addi %get3A_62, %add3A : i32
      %sub3A_64 = arith.constant 1 : i32
      %sub3A_65 = arith.subi %add3A_63, %sub3A_64 : i32
      %jit3A = arith.constant 512 : i32
      %div3A = arith.divsi %sub3A_65, %jit3A : i32
      %sign3A = arith.constant 0 : i32
      %sign3A_66 = arith.cmpi sgt, %sub3A_65, %sign3A : i32
      %sign3A_67 = arith.extui %sign3A_66 : i1 to i32
      %sign3A_68 = arith.constant 0 : i32
      %sign3A_69 = arith.cmpi slt, %sub3A_65, %sign3A_68 : i32
      %sign3A_70 = arith.extui %sign3A_69 : i1 to i32
      %sign3A_71 = arith.subi %sign3A_67, %sign3A_70 : i32
      %sign3A_72 = arith.constant 0 : i32
      %sign3A_73 = arith.cmpi sgt, %jit3A, %sign3A_72 : i32
      %sign3A_74 = arith.extui %sign3A_73 : i1 to i32
      %sign3A_75 = arith.constant 0 : i32
      %sign3A_76 = arith.cmpi slt, %jit3A, %sign3A_75 : i32
      %sign3A_77 = arith.extui %sign3A_76 : i1 to i32
      %sign3A_78 = arith.subi %sign3A_74, %sign3A_77 : i32
      %ne3A = arith.cmpi ne, %sign3A_71, %sign3A_78 : i32
      %rem3A = arith.remsi %sub3A_65, %jit3A : i32
      %ne3A_79 = arith.constant 0 : i32
      %ne3A_80 = arith.cmpi ne, %rem3A, %ne3A_79 : i32
      %and3A = arith.andi %ne3A, %ne3A_80 : i1
      %sub3A_81 = arith.constant 1 : i32
      %sub3A_82 = arith.subi %div3A, %sub3A_81 : i32
      %select_n3A = arith.select %and3A, %sub3A_82, %div3A : i32
      %broadcast_in_dim3A_83 = arith.constant 0.000000e+00 : f32
      %broadcast_in_dim3A_84 = vector.broadcast %broadcast_in_dim3A_83 : f32 to vector<1x512xf32>
      %while3A = arith.constant 0 : i32
      %while3A_85 = arith.subi %select_n3A, %while3A : i32
      %while3A_86 = arith.addi %while3A, %while3A_85 : i32
      %while3A_87 = arith.constant 1 : i32
      %while3A_88 = arith.divsi %while3A_85, %while3A_87 : i32
      %while3A_89 = arith.muli %while3A_88, %while3A_87 : i32
      %while3A_90 = arith.addi %while3A, %while3A_89 : i32
      %while3A_91 = arith.constant 1 : i32
      %while3A_92 = scf.for %while3A_306 = %while3A to %while3A_90 step %while3A_91 iter_args(%while3A_307 = %broadcast_in_dim3A_84) -> (vector<1x512xf32>)  : i32 {
        %get3A_308 = arith.index_cast %while3A_306 : i32 to index
        %get3A_309 = arith.constant 0 : index
        %get3A_310 = arith.constant 0 : index
        %get3A_311 = vector.load %arg5[%get3A_308, %get3A_309, %get3A_310] : memref<41x512x4xf32, #tpu.memory_space<vmem>>, vector<1x512x4xf32>
        %get3A_312 = vector.shape_cast %get3A_311 : vector<1x512x4xf32> to vector<512x4xf32>
        %slice3A_313 = vector.extract_strided_slice %get3A_312 {offsets = [0, 0], sizes = [512, 1], strides = [1, 1]} : vector<512x4xf32> to vector<512x1xf32>
        %slice3A_314 = vector.extract_strided_slice %get3A_312 {offsets = [0, 1], sizes = [512, 1], strides = [1, 1]} : vector<512x4xf32> to vector<512x1xf32>
        %slice3A_315 = vector.extract_strided_slice %get3A_312 {offsets = [0, 2], sizes = [512, 1], strides = [1, 1]} : vector<512x4xf32> to vector<512x1xf32>
        %slice3A_316 = vector.extract_strided_slice %get3A_312 {offsets = [0, 3], sizes = [512, 1], strides = [1, 1]} : vector<512x4xf32> to vector<512x1xf32>
        %sub3A_317 = arith.subf %slice3A_315, %slice3A_313 : vector<512x1xf32>
        %max3A_318 = arith.constant 0.000000e+00 : f32
        %max3A_319 = vector.broadcast %max3A_318 : f32 to vector<512x1xf32>
        %max3A_320 = arith.maximumf %sub3A_317, %max3A_319 : vector<512x1xf32>
        %sub3A_321 = arith.subf %slice3A_316, %slice3A_314 : vector<512x1xf32>
        %max3A_322 = arith.constant 0.000000e+00 : f32
        %max3A_323 = vector.broadcast %max3A_322 : f32 to vector<512x1xf32>
        %max3A_324 = arith.maximumf %sub3A_321, %max3A_323 : vector<512x1xf32>
        %mul3A_325 = arith.mulf %max3A_320, %max3A_324 : vector<512x1xf32>
        %max3A_326 = vector.broadcast %slice3A_313 : vector<512x1xf32> to vector<512x512xf32>
        %max3A_327 = vector.broadcast %slice3A : vector<1x512xf32> to vector<512x512xf32>
        %max3A_328 = arith.maximumf %max3A_326, %max3A_327 : vector<512x512xf32>
        %max3A_329 = vector.broadcast %slice3A_314 : vector<512x1xf32> to vector<512x512xf32>
        %max3A_330 = vector.broadcast %slice3A_6 : vector<1x512xf32> to vector<512x512xf32>
        %max3A_331 = arith.maximumf %max3A_329, %max3A_330 : vector<512x512xf32>
        %min3A_332 = vector.broadcast %slice3A_315 : vector<512x1xf32> to vector<512x512xf32>
        %min3A_333 = vector.broadcast %slice3A_7 : vector<1x512xf32> to vector<512x512xf32>
        %min3A_334 = arith.minimumf %min3A_332, %min3A_333 : vector<512x512xf32>
        %min3A_335 = vector.broadcast %slice3A_316 : vector<512x1xf32> to vector<512x512xf32>
        %min3A_336 = vector.broadcast %slice3A_8 : vector<1x512xf32> to vector<512x512xf32>
        %min3A_337 = arith.minimumf %min3A_335, %min3A_336 : vector<512x512xf32>
        %sub3A_338 = arith.subf %min3A_334, %max3A_328 : vector<512x512xf32>
        %max3A_339 = arith.constant 0.000000e+00 : f32
        %max3A_340 = vector.broadcast %max3A_339 : f32 to vector<512x512xf32>
        %max3A_341 = arith.maximumf %sub3A_338, %max3A_340 : vector<512x512xf32>
        %sub3A_342 = arith.subf %min3A_337, %max3A_331 : vector<512x512xf32>
        %max3A_343 = arith.constant 0.000000e+00 : f32
        %max3A_344 = vector.broadcast %max3A_343 : f32 to vector<512x512xf32>
        %max3A_345 = arith.maximumf %sub3A_342, %max3A_344 : vector<512x512xf32>
        %mul3A_346 = arith.mulf %max3A_341, %max3A_345 : vector<512x512xf32>
        %add3A_347 = vector.broadcast %mul3A_325 : vector<512x1xf32> to vector<512x512xf32>
        %add3A_348 = vector.broadcast %mul3A : vector<1x512xf32> to vector<512x512xf32>
        %add3A_349 = arith.addf %add3A_347, %add3A_348 : vector<512x512xf32>
        %sub3A_350 = arith.subf %add3A_349, %mul3A_346 : vector<512x512xf32>
        %add3A_351 = arith.constant 9.99999971E-10 : f32
        %add3A_352 = vector.broadcast %add3A_351 : f32 to vector<512x512xf32>
        %add3A_353 = arith.addf %sub3A_350, %add3A_352 : vector<512x512xf32>
        %div3A_354 = arith.divf %mul3A_346, %add3A_353 : vector<512x512xf32>
        %gt3A_355 = arith.constant 3.000000e-01 : f32
        %gt3A_356 = vector.broadcast %gt3A_355 : f32 to vector<512x512xf32>
        %gt3A_357 = arith.cmpf ogt, %div3A_354, %gt3A_356 : vector<512x512xf32>
        %convert_element_type3A_358 = arith.extui %gt3A_357 : vector<512x512xi1> to vector<512x512xi32>
        %convert_element_type3A_359 = arith.sitofp %convert_element_type3A_358 : vector<512x512xi32> to vector<512x512xf32>
        %dot_general3A_360 = arith.constant dense<0.000000e+00> : vector<1x512xf32>
        %dot_general3A_361 = tpu.matmul %broadcast_in_dim3A_15, %convert_element_type3A_359, %dot_general3A_360 {dimension_numbers = #tpu.dot_dimension_numbers<[1], [0], [0], [1], [0, 0, 1, 1], [], []>, precision = #tpu.contract_precision<fp32>, transpose_lhs_hint = false} : vector<1x512xf32>, vector<512x512xf32>, vector<1x512xf32> -> vector<1x512xf32>
        %add3A_362 = arith.addf %while3A_307, %dot_general3A_361 : vector<1x512xf32>
        scf.yield %add3A_362 : vector<1x512xf32>
      }
      %while3A_93 = arith.constant 1 : i32
      %while3A_94 = scf.for %while3A_306 = %while3A_90 to %while3A_86 step %while3A_93 iter_args(%while3A_307 = %while3A_92) -> (vector<1x512xf32>)  : i32 {
        %get3A_308 = arith.index_cast %while3A_306 : i32 to index
        %get3A_309 = arith.constant 0 : index
        %get3A_310 = arith.constant 0 : index
        %get3A_311 = vector.load %arg5[%get3A_308, %get3A_309, %get3A_310] : memref<41x512x4xf32, #tpu.memory_space<vmem>>, vector<1x512x4xf32>
        %get3A_312 = vector.shape_cast %get3A_311 : vector<1x512x4xf32> to vector<512x4xf32>
        %slice3A_313 = vector.extract_strided_slice %get3A_312 {offsets = [0, 0], sizes = [512, 1], strides = [1, 1]} : vector<512x4xf32> to vector<512x1xf32>
        %slice3A_314 = vector.extract_strided_slice %get3A_312 {offsets = [0, 1], sizes = [512, 1], strides = [1, 1]} : vector<512x4xf32> to vector<512x1xf32>
        %slice3A_315 = vector.extract_strided_slice %get3A_312 {offsets = [0, 2], sizes = [512, 1], strides = [1, 1]} : vector<512x4xf32> to vector<512x1xf32>
        %slice3A_316 = vector.extract_strided_slice %get3A_312 {offsets = [0, 3], sizes = [512, 1], strides = [1, 1]} : vector<512x4xf32> to vector<512x1xf32>
        %sub3A_317 = arith.subf %slice3A_315, %slice3A_313 : vector<512x1xf32>
        %max3A_318 = arith.constant 0.000000e+00 : f32
        %max3A_319 = vector.broadcast %max3A_318 : f32 to vector<512x1xf32>
        %max3A_320 = arith.maximumf %sub3A_317, %max3A_319 : vector<512x1xf32>
        %sub3A_321 = arith.subf %slice3A_316, %slice3A_314 : vector<512x1xf32>
        %max3A_322 = arith.constant 0.000000e+00 : f32
        %max3A_323 = vector.broadcast %max3A_322 : f32 to vector<512x1xf32>
        %max3A_324 = arith.maximumf %sub3A_321, %max3A_323 : vector<512x1xf32>
        %mul3A_325 = arith.mulf %max3A_320, %max3A_324 : vector<512x1xf32>
        %max3A_326 = vector.broadcast %slice3A_313 : vector<512x1xf32> to vector<512x512xf32>
        %max3A_327 = vector.broadcast %slice3A : vector<1x512xf32> to vector<512x512xf32>
        %max3A_328 = arith.maximumf %max3A_326, %max3A_327 : vector<512x512xf32>
        %max3A_329 = vector.broadcast %slice3A_314 : vector<512x1xf32> to vector<512x512xf32>
        %max3A_330 = vector.broadcast %slice3A_6 : vector<1x512xf32> to vector<512x512xf32>
        %max3A_331 = arith.maximumf %max3A_329, %max3A_330 : vector<512x512xf32>
        %min3A_332 = vector.broadcast %slice3A_315 : vector<512x1xf32> to vector<512x512xf32>
        %min3A_333 = vector.broadcast %slice3A_7 : vector<1x512xf32> to vector<512x512xf32>
        %min3A_334 = arith.minimumf %min3A_332, %min3A_333 : vector<512x512xf32>
        %min3A_335 = vector.broadcast %slice3A_316 : vector<512x1xf32> to vector<512x512xf32>
        %min3A_336 = vector.broadcast %slice3A_8 : vector<1x512xf32> to vector<512x512xf32>
        %min3A_337 = arith.minimumf %min3A_335, %min3A_336 : vector<512x512xf32>
        %sub3A_338 = arith.subf %min3A_334, %max3A_328 : vector<512x512xf32>
        %max3A_339 = arith.constant 0.000000e+00 : f32
        %max3A_340 = vector.broadcast %max3A_339 : f32 to vector<512x512xf32>
        %max3A_341 = arith.maximumf %sub3A_338, %max3A_340 : vector<512x512xf32>
        %sub3A_342 = arith.subf %min3A_337, %max3A_331 : vector<512x512xf32>
        %max3A_343 = arith.constant 0.000000e+00 : f32
        %max3A_344 = vector.broadcast %max3A_343 : f32 to vector<512x512xf32>
        %max3A_345 = arith.maximumf %sub3A_342, %max3A_344 : vector<512x512xf32>
        %mul3A_346 = arith.mulf %max3A_341, %max3A_345 : vector<512x512xf32>
        %add3A_347 = vector.broadcast %mul3A_325 : vector<512x1xf32> to vector<512x512xf32>
        %add3A_348 = vector.broadcast %mul3A : vector<1x512xf32> to vector<512x512xf32>
        %add3A_349 = arith.addf %add3A_347, %add3A_348 : vector<512x512xf32>
        %sub3A_350 = arith.subf %add3A_349, %mul3A_346 : vector<512x512xf32>
        %add3A_351 = arith.constant 9.99999971E-10 : f32
        %add3A_352 = vector.broadcast %add3A_351 : f32 to vector<512x512xf32>
        %add3A_353 = arith.addf %sub3A_350, %add3A_352 : vector<512x512xf32>
        %div3A_354 = arith.divf %mul3A_346, %add3A_353 : vector<512x512xf32>
        %gt3A_355 = arith.constant 3.000000e-01 : f32
        %gt3A_356 = vector.broadcast %gt3A_355 : f32 to vector<512x512xf32>
        %gt3A_357 = arith.cmpf ogt, %div3A_354, %gt3A_356 : vector<512x512xf32>
        %convert_element_type3A_358 = arith.extui %gt3A_357 : vector<512x512xi1> to vector<512x512xi32>
        %convert_element_type3A_359 = arith.sitofp %convert_element_type3A_358 : vector<512x512xi32> to vector<512x512xf32>
        %dot_general3A_360 = arith.constant dense<0.000000e+00> : vector<1x512xf32>
        %dot_general3A_361 = tpu.matmul %broadcast_in_dim3A_15, %convert_element_type3A_359, %dot_general3A_360 {dimension_numbers = #tpu.dot_dimension_numbers<[1], [0], [0], [1], [0, 0, 1, 1], [], []>, precision = #tpu.contract_precision<fp32>, transpose_lhs_hint = false} : vector<1x512xf32>, vector<512x512xf32>, vector<1x512xf32> -> vector<1x512xf32>
        %add3A_362 = arith.addf %while3A_307, %dot_general3A_361 : vector<1x512xf32>
        scf.yield %add3A_362 : vector<1x512xf32>
      }
      %gt3A_95 = arith.constant 0.000000e+00 : f32
      %gt3A_96 = vector.broadcast %gt3A_95 : f32 to vector<1x512xf32>
      %gt3A_97 = arith.cmpf ogt, %while3A_94, %gt3A_96 : vector<1x512xf32>
      %get3A_98 = arith.index_cast %arg0 : i32 to index
      %get3A_99 = arith.constant 0 : index
      %get3A_100 = arith.constant 0 : index
      %get3A_101 = vector.load %arg3[%get3A_98, %get3A_99, %get3A_100] : memref<40x1x512xf32, #tpu.memory_space<vmem>>, vector<1x1x512xf32>
      %get3A_102 = vector.shape_cast %get3A_101 : vector<1x1x512xf32> to vector<1x512xf32>
      %jit3A_103 = arith.constant 0.000000e+00 : f32
      %broadcast_in_dim3A_104 = vector.broadcast %jit3A_103 : f32 to vector<1x512xf32>
      %select_n3A_105 = arith.select %gt3A_97, %broadcast_in_dim3A_104, %get3A_102 : vector<1x512xi1>, vector<1x512xf32>
      %get3A_106 = arith.index_cast %arg0 : i32 to index
      %get3A_107 = arith.constant 0 : index
      %get3A_108 = arith.constant 0 : index
      %get3A_109 = vector.load %arg2[%get3A_106, %get3A_107, %get3A_108] : memref<40x512x4xf32, #tpu.memory_space<vmem>>, vector<1x512x4xf32>
      %get3A_110 = vector.shape_cast %get3A_109 : vector<1x512x4xf32> to vector<512x4xf32>
      %slice3A_111 = vector.extract_strided_slice %get3A_110 {offsets = [0, 0], sizes = [512, 1], strides = [1, 1]} : vector<512x4xf32> to vector<512x1xf32>
      %slice3A_112 = vector.extract_strided_slice %get3A_110 {offsets = [0, 1], sizes = [512, 1], strides = [1, 1]} : vector<512x4xf32> to vector<512x1xf32>
      %slice3A_113 = vector.extract_strided_slice %get3A_110 {offsets = [0, 2], sizes = [512, 1], strides = [1, 1]} : vector<512x4xf32> to vector<512x1xf32>
      %slice3A_114 = vector.extract_strided_slice %get3A_110 {offsets = [0, 3], sizes = [512, 1], strides = [1, 1]} : vector<512x4xf32> to vector<512x1xf32>
      %sub3A_115 = arith.subf %slice3A_113, %slice3A_111 : vector<512x1xf32>
      %max3A_116 = arith.constant 0.000000e+00 : f32
      %max3A_117 = vector.broadcast %max3A_116 : f32 to vector<512x1xf32>
      %max3A_118 = arith.maximumf %sub3A_115, %max3A_117 : vector<512x1xf32>
      %sub3A_119 = arith.subf %slice3A_114, %slice3A_112 : vector<512x1xf32>
      %max3A_120 = arith.constant 0.000000e+00 : f32
      %max3A_121 = vector.broadcast %max3A_120 : f32 to vector<512x1xf32>
      %max3A_122 = arith.maximumf %sub3A_119, %max3A_121 : vector<512x1xf32>
      %mul3A_123 = arith.mulf %max3A_118, %max3A_122 : vector<512x1xf32>
      %max3A_124 = vector.broadcast %slice3A_111 : vector<512x1xf32> to vector<512x512xf32>
      %max3A_125 = vector.broadcast %slice3A : vector<1x512xf32> to vector<512x512xf32>
      %max3A_126 = arith.maximumf %max3A_124, %max3A_125 : vector<512x512xf32>
      %max3A_127 = vector.broadcast %slice3A_112 : vector<512x1xf32> to vector<512x512xf32>
      %max3A_128 = vector.broadcast %slice3A_6 : vector<1x512xf32> to vector<512x512xf32>
      %max3A_129 = arith.maximumf %max3A_127, %max3A_128 : vector<512x512xf32>
      %min3A = vector.broadcast %slice3A_113 : vector<512x1xf32> to vector<512x512xf32>
      %min3A_130 = vector.broadcast %slice3A_7 : vector<1x512xf32> to vector<512x512xf32>
      %min3A_131 = arith.minimumf %min3A, %min3A_130 : vector<512x512xf32>
      %min3A_132 = vector.broadcast %slice3A_114 : vector<512x1xf32> to vector<512x512xf32>
      %min3A_133 = vector.broadcast %slice3A_8 : vector<1x512xf32> to vector<512x512xf32>
      %min3A_134 = arith.minimumf %min3A_132, %min3A_133 : vector<512x512xf32>
      %sub3A_135 = arith.subf %min3A_131, %max3A_126 : vector<512x512xf32>
      %max3A_136 = arith.constant 0.000000e+00 : f32
      %max3A_137 = vector.broadcast %max3A_136 : f32 to vector<512x512xf32>
      %max3A_138 = arith.maximumf %sub3A_135, %max3A_137 : vector<512x512xf32>
      %sub3A_139 = arith.subf %min3A_134, %max3A_129 : vector<512x512xf32>
      %max3A_140 = arith.constant 0.000000e+00 : f32
      %max3A_141 = vector.broadcast %max3A_140 : f32 to vector<512x512xf32>
      %max3A_142 = arith.maximumf %sub3A_139, %max3A_141 : vector<512x512xf32>
      %mul3A_143 = arith.mulf %max3A_138, %max3A_142 : vector<512x512xf32>
      %add3A_144 = vector.broadcast %mul3A_123 : vector<512x1xf32> to vector<512x512xf32>
      %add3A_145 = vector.broadcast %mul3A : vector<1x512xf32> to vector<512x512xf32>
      %add3A_146 = arith.addf %add3A_144, %add3A_145 : vector<512x512xf32>
      %sub3A_147 = arith.subf %add3A_146, %mul3A_143 : vector<512x512xf32>
      %add3A_148 = arith.constant 9.99999971E-10 : f32
      %add3A_149 = vector.broadcast %add3A_148 : f32 to vector<512x512xf32>
      %add3A_150 = arith.addf %sub3A_147, %add3A_149 : vector<512x512xf32>
      %div3A_151 = arith.divf %mul3A_143, %add3A_150 : vector<512x512xf32>
      %gt3A_152 = arith.constant 3.000000e-01 : f32
      %gt3A_153 = vector.broadcast %gt3A_152 : f32 to vector<512x512xf32>
      %gt3A_154 = arith.cmpf ogt, %div3A_151, %gt3A_153 : vector<512x512xf32>
      %convert_element_type3A_155 = arith.extui %gt3A_154 : vector<512x512xi1> to vector<512x512xi32>
      %convert_element_type3A_156 = arith.sitofp %convert_element_type3A_155 : vector<512x512xi32> to vector<512x512xf32>
      %iota3A = tpu.iota {dimensions = array<i32: 0>} : vector<512x512xi32>
      %iota3A_157 = tpu.iota {dimensions = array<i32: 1>} : vector<512x512xi32>
      %lt3A = arith.cmpi slt, %iota3A, %iota3A_157 : vector<512x512xi32>
      %jit3A_158 = arith.constant 0.000000e+00 : f32
      %broadcast_in_dim3A_159 = vector.broadcast %jit3A_158 : f32 to vector<512x512xf32>
      %select_n3A_160 = arith.select %lt3A, %convert_element_type3A_156, %broadcast_in_dim3A_159 : vector<512x512xi1>, vector<512x512xf32>
      %while3A_161 = arith.constant true
      %while3A_162:2 = scf.while (%while3A_306 = %select_n3A_105, %while3A_307 = %while3A_161) : (vector<1x512xf32>, i1) -> (vector<1x512xf32>, i1) {
        scf.condition(%while3A_307) %while3A_306, %while3A_307 : vector<1x512xf32>, i1
      } do {
      ^bb0(%while3A_306: vector<1x512xf32>, %while3A_307: i1):
        %dot_general3A_308 = arith.constant dense<0.000000e+00> : vector<1x512xf32>
        %dot_general3A_309 = tpu.matmul %while3A_306, %select_n3A_160, %dot_general3A_308 {dimension_numbers = #tpu.dot_dimension_numbers<[1], [0], [0], [1], [0, 0, 1, 1], [], []>, precision = #tpu.contract_precision<fp32>, transpose_lhs_hint = false} : vector<1x512xf32>, vector<512x512xf32>, vector<1x512xf32> -> vector<1x512xf32>
        %gt3A_310 = arith.constant 0.000000e+00 : f32
        %gt3A_311 = vector.broadcast %gt3A_310 : f32 to vector<1x512xf32>
        %gt3A_312 = arith.cmpf ogt, %dot_general3A_309, %gt3A_311 : vector<1x512xf32>
        %jit3A_313 = arith.constant 0.000000e+00 : f32
        %broadcast_in_dim3A_314 = vector.broadcast %jit3A_313 : f32 to vector<1x512xf32>
        %select_n3A_315 = arith.select %gt3A_312, %broadcast_in_dim3A_314, %select_n3A_105 : vector<1x512xi1>, vector<1x512xf32>
        %ne3A_316 = arith.cmpf one, %select_n3A_315, %while3A_306 : vector<1x512xf32>
        %reduce_or3A_317 = arith.constant 1.000000e+00 : f32
        %reduce_or3A_318 = arith.constant 0.000000e+00 : f32
        %reduce_or3A_319 = vector.broadcast %reduce_or3A_317 : f32 to vector<1x512xf32>
        %reduce_or3A_320 = vector.broadcast %reduce_or3A_318 : f32 to vector<1x512xf32>
        %reduce_or3A_321 = arith.select %ne3A_316, %reduce_or3A_319, %reduce_or3A_320 : vector<1x512xi1>, vector<1x512xf32>
        %reduce_or3A_322 = vector.shape_cast %reduce_or3A_321 : vector<1x512xf32> to vector<1x1x512xf32>
        %reduce_or3A_323 = arith.constant dense<0xFF800000> : vector<1xf32>
        %reduce_or3A_324 = vector.multi_reduction <maximumf>, %reduce_or3A_322, %reduce_or3A_323 [1, 2] : vector<1x1x512xf32> to vector<1xf32>
        %reduce_or3A_325 = vector.shape_cast %reduce_or3A_324 : vector<1xf32> to vector<1x1x1xf32>
        %reduce_or3A_326 = vector.extract %reduce_or3A_325[0, 0, 0] : f32 from vector<1x1x1xf32>
        %reduce_or3A_327 = arith.constant 0.000000e+00 : f32
        %reduce_or3A_328 = arith.cmpf ogt, %reduce_or3A_326, %reduce_or3A_327 : f32
        scf.yield %select_n3A_315, %reduce_or3A_328 : vector<1x512xf32>, i1
      }
      %mul3A_163 = vector.broadcast %while3A_162#0 : vector<1x512xf32> to vector<5x512xf32>
      %mul3A_164 = arith.mulf %get3A_5, %mul3A_163 : vector<5x512xf32>
      %swap3A = arith.constant 0 : index
      %swap3A_165 = arith.constant 0 : index
      %swap3A_166 = arith.constant 0 : index
      %swap3A_167 = vector.load %arg4[%swap3A, %swap3A_165, %swap3A_166] : memref<1x5x512xf32, #tpu.memory_space<vmem>>, vector<1x5x512xf32>
      %swap3A_168 = vector.shape_cast %swap3A_167 : vector<1x5x512xf32> to vector<5x512xf32>
      %swap3A_169 = vector.shape_cast %mul3A_164 : vector<5x512xf32> to vector<1x5x512xf32>
      tpu.vector_store %arg4[%swap3A, %swap3A_165, %swap3A_166], %swap3A_169 {strides = array<i32>} : memref<1x5x512xf32, #tpu.memory_space<vmem>>, vector<1x5x512xf32>,
      %jit3A_170 = arith.constant 512 : i32
      %div3A_171 = arith.divsi %get3A_62, %jit3A_170 : i32
      %sign3A_172 = arith.constant 0 : i32
      %sign3A_173 = arith.cmpi sgt, %get3A_62, %sign3A_172 : i32
      %sign3A_174 = arith.extui %sign3A_173 : i1 to i32
      %sign3A_175 = arith.constant 0 : i32
      %sign3A_176 = arith.cmpi slt, %get3A_62, %sign3A_175 : i32
      %sign3A_177 = arith.extui %sign3A_176 : i1 to i32
      %sign3A_178 = arith.subi %sign3A_174, %sign3A_177 : i32
      %sign3A_179 = arith.constant 0 : i32
      %sign3A_180 = arith.cmpi sgt, %jit3A_170, %sign3A_179 : i32
      %sign3A_181 = arith.extui %sign3A_180 : i1 to i32
      %sign3A_182 = arith.constant 0 : i32
      %sign3A_183 = arith.cmpi slt, %jit3A_170, %sign3A_182 : i32
      %sign3A_184 = arith.extui %sign3A_183 : i1 to i32
      %sign3A_185 = arith.subi %sign3A_181, %sign3A_184 : i32
      %ne3A_186 = arith.cmpi ne, %sign3A_178, %sign3A_185 : i32
      %rem3A_187 = arith.remsi %get3A_62, %jit3A_170 : i32
      %ne3A_188 = arith.constant 0 : i32
      %ne3A_189 = arith.cmpi ne, %rem3A_187, %ne3A_188 : i32
      %and3A_190 = arith.andi %ne3A_186, %ne3A_189 : i1
      %sub3A_191 = arith.constant 1 : i32
      %sub3A_192 = arith.subi %div3A_171, %sub3A_191 : i32
      %select_n3A_193 = arith.select %and3A_190, %sub3A_192, %div3A_171 : i32
      %mul3A_194 = arith.constant 512 : i32
      %mul3A_195 = arith.muli %select_n3A_193, %mul3A_194 : i32
      %sub3A_196 = arith.subi %get3A_62, %mul3A_195 : i32
      %jit3A_197 = arith.constant 512 : i32
      %div3A_198 = arith.divsi %get3A_62, %jit3A_197 : i32
      %sign3A_199 = arith.constant 0 : i32
      %sign3A_200 = arith.cmpi sgt, %get3A_62, %sign3A_199 : i32
      %sign3A_201 = arith.extui %sign3A_200 : i1 to i32
      %sign3A_202 = arith.constant 0 : i32
      %sign3A_203 = arith.cmpi slt, %get3A_62, %sign3A_202 : i32
      %sign3A_204 = arith.extui %sign3A_203 : i1 to i32
      %sign3A_205 = arith.subi %sign3A_201, %sign3A_204 : i32
      %sign3A_206 = arith.constant 0 : i32
      %sign3A_207 = arith.cmpi sgt, %jit3A_197, %sign3A_206 : i32
      %sign3A_208 = arith.extui %sign3A_207 : i1 to i32
      %sign3A_209 = arith.constant 0 : i32
      %sign3A_210 = arith.cmpi slt, %jit3A_197, %sign3A_209 : i32
      %sign3A_211 = arith.extui %sign3A_210 : i1 to i32
      %sign3A_212 = arith.subi %sign3A_208, %sign3A_211 : i32
      %ne3A_213 = arith.cmpi ne, %sign3A_205, %sign3A_212 : i32
      %rem3A_214 = arith.remsi %get3A_62, %jit3A_197 : i32
      %ne3A_215 = arith.constant 0 : i32
      %ne3A_216 = arith.cmpi ne, %rem3A_214, %ne3A_215 : i32
      %and3A_217 = arith.andi %ne3A_213, %ne3A_216 : i1
      %sub3A_218 = arith.constant 1 : i32
      %sub3A_219 = arith.subi %div3A_198, %sub3A_218 : i32
      %select_n3A_220 = arith.select %and3A_217, %sub3A_219, %div3A_198 : i32
      %le3A = arith.cmpi sle, %iota3A, %iota3A_157 : vector<512x512xi32>
      %jit3A_221 = arith.constant 1.000000e+00 : f32
      %jit3A_222 = arith.constant 0.000000e+00 : f32
      %broadcast_in_dim3A_223 = vector.broadcast %jit3A_221 : f32 to vector<512x512xf32>
      %broadcast_in_dim3A_224 = vector.broadcast %jit3A_222 : f32 to vector<512x512xf32>
      %select_n3A_225 = arith.select %le3A, %broadcast_in_dim3A_223, %broadcast_in_dim3A_224 : vector<512x512xi1>, vector<512x512xf32>
      %dot_general3A = arith.constant dense<0.000000e+00> : vector<1x512xf32>
      %dot_general3A_226 = tpu.matmul %while3A_162#0, %select_n3A_225, %dot_general3A {dimension_numbers = #tpu.dot_dimension_numbers<[1], [0], [0], [1], [0, 0, 1, 1], [], []>, precision = #tpu.contract_precision<fp32>, transpose_lhs_hint = false} : vector<1x512xf32>, vector<512x512xf32>, vector<1x512xf32> -> vector<1x512xf32>
      %convert_element_type3A_227 = arith.fptosi %dot_general3A_226 : vector<1x512xf32> to vector<1x512xi32>
      %add3A_228 = vector.broadcast %sub3A_196 : i32 to vector<1x512xi32>
      %add3A_229 = arith.addi %add3A_228, %convert_element_type3A_227 : vector<1x512xi32>
      %sub3A_230 = arith.constant 1 : i32
      %sub3A_231 = vector.broadcast %sub3A_230 : i32 to vector<1x512xi32>
      %sub3A_232 = arith.subi %add3A_229, %sub3A_231 : vector<1x512xi32>
      %iota3A_233 = tpu.iota {dimensions = array<i32: 0>} : vector<512x512xi32>
      %eq3A_234 = vector.broadcast %sub3A_232 : vector<1x512xi32> to vector<512x512xi32>
      %eq3A_235 = arith.cmpi eq, %iota3A_233, %eq3A_234 : vector<512x512xi32>
      %gt3A_236 = arith.constant 0.000000e+00 : f32
      %gt3A_237 = vector.broadcast %gt3A_236 : f32 to vector<1x512xf32>
      %gt3A_238 = arith.cmpf ogt, %while3A_162#0, %gt3A_237 : vector<1x512xf32>
      %and3A_239 = vector.broadcast %gt3A_238 : vector<1x512xi1> to vector<512x512xi1>
      %and3A_240 = arith.andi %eq3A_235, %and3A_239 : vector<512x512xi1>
      %jit3A_241 = arith.constant 1.000000e+00 : f32
      %jit3A_242 = arith.constant 0.000000e+00 : f32
      %broadcast_in_dim3A_243 = vector.broadcast %jit3A_241 : f32 to vector<512x512xf32>
      %broadcast_in_dim3A_244 = vector.broadcast %jit3A_242 : f32 to vector<512x512xf32>
      %select_n3A_245 = arith.select %and3A_240, %broadcast_in_dim3A_243, %broadcast_in_dim3A_244 : vector<512x512xi1>, vector<512x512xf32>
      %add3A_246 = arith.constant 512 : i32
      %add3A_247 = vector.broadcast %add3A_246 : i32 to vector<512x512xi32>
      %add3A_248 = arith.addi %iota3A_233, %add3A_247 : vector<512x512xi32>
      %eq3A_249 = vector.broadcast %sub3A_232 : vector<1x512xi32> to vector<512x512xi32>
      %eq3A_250 = arith.cmpi eq, %add3A_248, %eq3A_249 : vector<512x512xi32>
      %gt3A_251 = arith.constant 0.000000e+00 : f32
      %gt3A_252 = vector.broadcast %gt3A_251 : f32 to vector<1x512xf32>
      %gt3A_253 = arith.cmpf ogt, %while3A_162#0, %gt3A_252 : vector<1x512xf32>
      %and3A_254 = vector.broadcast %gt3A_253 : vector<1x512xi1> to vector<512x512xi1>
      %and3A_255 = arith.andi %eq3A_250, %and3A_254 : vector<512x512xi1>
      %jit3A_256 = arith.constant 1.000000e+00 : f32
      %jit3A_257 = arith.constant 0.000000e+00 : f32
      %broadcast_in_dim3A_258 = vector.broadcast %jit3A_256 : f32 to vector<512x512xf32>
      %broadcast_in_dim3A_259 = vector.broadcast %jit3A_257 : f32 to vector<512x512xf32>
      %select_n3A_260 = arith.select %and3A_255, %broadcast_in_dim3A_258, %broadcast_in_dim3A_259 : vector<512x512xi1>, vector<512x512xf32>
      %get3A_261 = arith.index_cast %arg0 : i32 to index
      %get3A_262 = arith.constant 0 : index
      %get3A_263 = arith.constant 0 : index
      %get3A_264 = vector.load %arg2[%get3A_261, %get3A_262, %get3A_263] : memref<40x512x4xf32, #tpu.memory_space<vmem>>, vector<1x512x4xf32>
      %get3A_265 = vector.shape_cast %get3A_264 : vector<1x512x4xf32> to vector<512x4xf32>
      %get3A_266 = arith.index_cast %select_n3A_220 : i32 to index
      %get3A_267 = arith.constant 0 : index
      %get3A_268 = arith.constant 0 : index
      %get3A_269 = vector.load %arg5[%get3A_266, %get3A_267, %get3A_268] : memref<41x512x4xf32, #tpu.memory_space<vmem>>, vector<1x512x4xf32>
      %get3A_270 = vector.shape_cast %get3A_269 : vector<1x512x4xf32> to vector<512x4xf32>
      %dot_general3A_271 = arith.constant dense<0.000000e+00> : vector<512x4xf32>
      %dot_general3A_272 = tpu.matmul %select_n3A_245, %get3A_265, %dot_general3A_271 {dimension_numbers = #tpu.dot_dimension_numbers<[1], [0], [0], [1], [0, 0, 1, 1], [], []>, precision = #tpu.contract_precision<fp32>, transpose_lhs_hint = false} : vector<512x512xf32>, vector<512x4xf32>, vector<512x4xf32> -> vector<512x4xf32>
      %add3A_273 = arith.addf %get3A_270, %dot_general3A_272 : vector<512x4xf32>
      %swap3A_274 = arith.index_cast %select_n3A_220 : i32 to index
      %swap3A_275 = arith.constant 0 : index
      %swap3A_276 = arith.constant 0 : index
      %swap3A_277 = vector.load %arg5[%swap3A_274, %swap3A_275, %swap3A_276] : memref<41x512x4xf32, #tpu.memory_space<vmem>>, vector<1x512x4xf32>
      %swap3A_278 = vector.shape_cast %swap3A_277 : vector<1x512x4xf32> to vector<512x4xf32>
      %swap3A_279 = vector.shape_cast %add3A_273 : vector<512x4xf32> to vector<1x512x4xf32>
      tpu.vector_store %arg5[%swap3A_274, %swap3A_275, %swap3A_276], %swap3A_279 {strides = array<i32>} : memref<41x512x4xf32, #tpu.memory_space<vmem>>, vector<1x512x4xf32>,
      %add3A_280 = arith.constant 1 : i32
      %add3A_281 = arith.addi %select_n3A_220, %add3A_280 : i32
      %get3A_282 = arith.index_cast %add3A_281 : i32 to index
      %get3A_283 = arith.constant 0 : index
      %get3A_284 = arith.constant 0 : index
      %get3A_285 = vector.load %arg5[%get3A_282, %get3A_283, %get3A_284] : memref<41x512x4xf32, #tpu.memory_space<vmem>>, vector<1x512x4xf32>
      %get3A_286 = vector.shape_cast %get3A_285 : vector<1x512x4xf32> to vector<512x4xf32>
      %dot_general3A_287 = arith.constant dense<0.000000e+00> : vector<512x4xf32>
      %dot_general3A_288 = tpu.matmul %select_n3A_260, %get3A_265, %dot_general3A_287 {dimension_numbers = #tpu.dot_dimension_numbers<[1], [0], [0], [1], [0, 0, 1, 1], [], []>, precision = #tpu.contract_precision<fp32>, transpose_lhs_hint = false} : vector<512x512xf32>, vector<512x4xf32>, vector<512x4xf32> -> vector<512x4xf32>
      %add3A_289 = arith.addf %get3A_286, %dot_general3A_288 : vector<512x4xf32>
      %add3A_290 = arith.constant 1 : i32
      %add3A_291 = arith.addi %select_n3A_220, %add3A_290 : i32
      %swap3A_292 = arith.index_cast %add3A_291 : i32 to index
      %swap3A_293 = arith.constant 0 : index
      %swap3A_294 = arith.constant 0 : index
      %swap3A_295 = vector.load %arg5[%swap3A_292, %swap3A_293, %swap3A_294] : memref<41x512x4xf32, #tpu.memory_space<vmem>>, vector<1x512x4xf32>
      %swap3A_296 = vector.shape_cast %swap3A_295 : vector<1x512x4xf32> to vector<512x4xf32>
      %swap3A_297 = vector.shape_cast %add3A_289 : vector<512x4xf32> to vector<1x512x4xf32>
      tpu.vector_store %arg5[%swap3A_292, %swap3A_293, %swap3A_294], %swap3A_297 {strides = array<i32>} : memref<41x512x4xf32, #tpu.memory_space<vmem>>, vector<1x512x4xf32>,
      %reduce_sum3A = vector.shape_cast %while3A_162#0 : vector<1x512xf32> to vector<1x1x512xf32>
      %reduce_sum3A_298 = arith.constant dense<0.000000e+00> : vector<1xf32>
      %reduce_sum3A_299 = vector.multi_reduction <add>, %reduce_sum3A, %reduce_sum3A_298 [1, 2] : vector<1x1x512xf32> to vector<1xf32>
      %reduce_sum3A_300 = vector.shape_cast %reduce_sum3A_299 : vector<1xf32> to vector<1x1x1xf32>
      %reduce_sum3A_301 = vector.extract %reduce_sum3A_300[0, 0, 0] : f32 from vector<1x1x1xf32>
      %convert_element_type3A_302 = arith.fptosi %reduce_sum3A_301 : f32 to i32
      %add3A_303 = arith.addi %get3A_62, %convert_element_type3A_302 : i32
      %swap3A_304 = arith.constant 0 : index
      %swap3A_305 = memref.load %arg6[%swap3A_304] : memref<1xi32, #tpu.memory_space<smem>>
      memref.store %add3A_303, %arg6[%swap3A_304] : memref<1xi32, #tpu.memory_space<smem>>
    } else {
    }
    %get3A_37 = arith.index_cast %arg0 : i32 to index
    %get3A_38 = arith.constant 0 : index
    %get3A_39 = arith.constant 0 : index
    %get3A_40 = vector.load %arg3[%get3A_37, %get3A_38, %get3A_39] : memref<40x1x512xf32, #tpu.memory_space<vmem>>, vector<1x1x512xf32>
    %get3A_41 = vector.shape_cast %get3A_40 : vector<1x1x512xf32> to vector<1x512xf32>
    %gt3A_42 = arith.constant 0.000000e+00 : f32
    %gt3A_43 = vector.broadcast %gt3A_42 : f32 to vector<1x512xf32>
    %gt3A_44 = arith.cmpf ogt, %get3A_41, %gt3A_43 : vector<1x512xf32>
    %reduce_or3A_45 = arith.constant 1.000000e+00 : f32
    %reduce_or3A_46 = arith.constant 0.000000e+00 : f32
    %reduce_or3A_47 = vector.broadcast %reduce_or3A_45 : f32 to vector<1x512xf32>
    %reduce_or3A_48 = vector.broadcast %reduce_or3A_46 : f32 to vector<1x512xf32>
    %reduce_or3A_49 = arith.select %gt3A_44, %reduce_or3A_47, %reduce_or3A_48 : vector<1x512xi1>, vector<1x512xf32>
    %reduce_or3A_50 = vector.shape_cast %reduce_or3A_49 : vector<1x512xf32> to vector<1x1x512xf32>
    %reduce_or3A_51 = arith.constant dense<0xFF800000> : vector<1xf32>
    %reduce_or3A_52 = vector.multi_reduction <maximumf>, %reduce_or3A_50, %reduce_or3A_51 [1, 2] : vector<1x1x512xf32> to vector<1xf32>
    %reduce_or3A_53 = vector.shape_cast %reduce_or3A_52 : vector<1xf32> to vector<1x1x1xf32>
    %reduce_or3A_54 = vector.extract %reduce_or3A_53[0, 0, 0] : f32 from vector<1x1x1xf32>
    %reduce_or3A_55 = arith.constant 0.000000e+00 : f32
    %reduce_or3A_56 = arith.cmpf ogt, %reduce_or3A_54, %reduce_or3A_55 : f32
    %not3A = arith.constant true
    %not3A_57 = arith.xori %reduce_or3A_56, %not3A : i1
    %convert_element_type3A_58 = arith.extui %not3A_57 : i1 to i32
    %cond3A_59 = arith.constant 0 : i32
    %cond3A_60 = arith.cmpi ne, %convert_element_type3A_58, %cond3A_59 : i32
    scf.if %cond3A_60 {
      %broadcast_in_dim3A_61 = arith.constant 0.000000e+00 : f32
      %broadcast_in_dim3A_62 = vector.broadcast %broadcast_in_dim3A_61 : f32 to vector<5x512xf32>
      %swap3A = arith.constant 0 : index
      %swap3A_63 = arith.constant 0 : index
      %swap3A_64 = arith.constant 0 : index
      %swap3A_65 = vector.load %arg4[%swap3A, %swap3A_63, %swap3A_64] : memref<1x5x512xf32, #tpu.memory_space<vmem>>, vector<1x5x512xf32>
      %swap3A_66 = vector.shape_cast %swap3A_65 : vector<1x5x512xf32> to vector<5x512xf32>
      %swap3A_67 = vector.shape_cast %broadcast_in_dim3A_62 : vector<5x512xf32> to vector<1x5x512xf32>
      tpu.vector_store %arg4[%swap3A, %swap3A_63, %swap3A_64], %swap3A_67 {strides = array<i32>} : memref<1x5x512xf32, #tpu.memory_space<vmem>>, vector<1x5x512xf32>,
    } else {
    }
    return
  }
  func.func @transform_0(%arg0: i32) -> (i32, i32, i32) {
    %c0_i32 = arith.constant 0 : i32
    %c0_i32_0 = arith.constant 0 : i32
    %c0_i32_1 = arith.constant 0 : i32
    %c0_i32_2 = arith.constant 0 : i32
    return %c0_i32, %c0_i32_0, %c0_i32_1 : i32, i32, i32
  }
  func.func @transform_1(%arg0: i32) -> (i32, i32, i32) {
    %c0_i32 = arith.constant 0 : i32
    %c0_i32_0 = arith.constant 0 : i32
    %c0_i32_1 = arith.constant 0 : i32
    %c0_i32_2 = arith.constant 0 : i32
    return %c0_i32, %c0_i32_0, %c0_i32_1 : i32, i32, i32
  }
  func.func @transform_2(%arg0: i32) -> (i32, i32, i32) {
    %c0_i32 = arith.constant 0 : i32
    %c0_i32_0 = arith.constant 0 : i32
    %c0_i32_1 = arith.constant 0 : i32
    %c0_i32_2 = arith.constant 0 : i32
    return %c0_i32, %c0_i32_0, %c0_i32_1 : i32, i32, i32
  }
  func.func @transform_3(%arg0: i32) -> (i32, i32, i32) {
    %c0_i32 = arith.constant 0 : i32
    %c0_i32_0 = arith.constant 0 : i32
    %c0_i32_1 = arith.constant 0 : i32
    return %arg0, %c0_i32, %c0_i32_0 : i32, i32, i32
  }
}

</mosaic_0001>

<sc_bundles>
// kernel: gather_offload_async_start.1
scs
__scs_entry_jumppad:
0x0: {  	(pc) =	sbr.rel $0x88, $3  }
0x1: {  	(tag) =	ssettag $0x0;
	lr =	simm.s32 $0x1  }
0x2: {  	[smem:$0x3F9F] =	sst lr;
	_ =	strace $0xD0000000  }
0x3: {  	_ = 	snop  }
0x4: {  	_ = 	snop  }
0x5: {  	_ = 	snop  }
0x6: {  	_ = 	snop  }
0x7: {  	_ = 	snop  }
__scs_overlays_trampoline_lowered:
0x8: {  	[smem:$0x3FAE] =	sst s0  }
0x9: {  	[smem:$0x3FAF] =	sst s1  }
0xa: {  	[smem:$0x3FB0] =	sst s2  }
0xb: {  	[smem:$0x3FB1] =	sst s3  }
0xc: {  	[smem:$0x3FB2] =	sst s4  }
0xd: {  	[smem:$0x3FB3] =	sst s5  }
0xe: {  	[smem:$0x3FB4] =	sst s6  }
0xf: {  	[smem:$0x3FB5] =	sst s7  }
0x10: {  	[smem:$0x3FB6] =	sst s8  }
0x11: {  	[smem:$0x3FB7] =	sst s9;
	s0 =	simm.s32 @!p0 $0x0  }
0x12: {  	s1 =	sld [smem:$0x3F9D];
	s0 =	simm.s32 @p0 $0x1  }
0x13: {  	[smem:$0x3FB8] =	sst s0;
	s0 =	simm.s32 @!p1 $0x0  }
0x14: {  	s2 =	sld [smem:$0x3F9C];
	s0 =	simm.s32 @p1 $0x1  }
0x15: {  	[smem:$0x3FB9] =	sst s0;
	s0 =	simm.s32 @!p2 $0x0  }
0x16: {  	s3 =	sld [smem:$0x3FDB];
	s0 =	simm.s32 @p2 $0x1  }
0x17: {  	s4 =	simm.s32 $0x1BF5;
	[smem:$0x3FBB] =	sst s0  }
0x18: {  	s0 =	sld [smem:$0x3F9E];
	_ =	swait.ge [sflag:s4], $0x0  }
0x19: {  	s7 =	sld [smem:$0x3F9F]  }
0x1a: {  	s8 =	sadd.s32 $0xFFFFE003, lr  }
0x1b: {  	s9 =	sadd.s32 $0xFFFFFEF7, lr;
	s5 =	simm.s32 $0xFFFFFFFF;
	p2 =	slt.u32 s8, $0xFFFFF086  }
0x1c: {  	p1 =	slt.u32 s9, $0xF7A;
	s5 =	simm.s32 @!p2 $0x0  }
0x1d: {  	s5 =	simm.s32 @p1 $0x1;
	p0 =	seq.s32 s7, s2  }
0x1e: {  	s7 =	smul.u32 @!p0 $0xF7A, s2;
	p2 =	seq.s32 @!p0 s5, $0x0  }
0x1f: {  	s9 =	smul.u32 $0xF7A, s1;
	s8 =	simm.s32 @!p0 $0x1BF5;
	p2 =	por !p2, p0  }
0x20: {  	[sflag:s8] =	ssyncset.s32 @!p0 $0xFFFFF086;
	s6 =	sadd.s32 @!p0 s3, s7;
	s7 =	simm.s32 @!p0 $0x108  }
0x21: {  	s3 =	sadd.s32 s3, s9;
	s6 =	sadd.s32 @!p0 $0x88, s6;
	s7 =	simm.s32 @p2 $0x1082  }
0x22: {  	[simem:s7], [sflag:s8] =	dma.local @!p0 [hbm:s6], $0xF7A  }
0x23: {  	s9 =	sor.u32 $0xD0000000, s2;
	s6 =	simm.s32 $0x108;
	_ =	swait.ge @!p0 [sflag:s8], $0x0  }
0x24: {  	s3 =	sadd.s32 $0x88, s3;
	s6 =	simm.s32 @!p1 $0x1082;
	[sflag:s4] =	ssyncset.s32 $0xFFFFF086  }
0x25: {  	[simem:s6], [sflag:s4] =	dma.local [hbm:s3], $0xF7A  }
0x26: {  	[smem:$0x3F9F] =	sst s1;
	(tag) =	ssettag s2;
	_ =	strace s9  }
0x27: {  	s1 =	sld [smem:$0x3FAF]  }
0x28: {  	s2 =	sld [smem:$0x3FB0]  }
0x29: {  	s4 =	sld [smem:$0x3FB2]  }
0x2a: {  	p0 =	seq.s32 s5, $0x0;
	s5 =	sld [smem:$0x3FB3]  }
0x2b: {  	s6 =	sld [smem:$0x3FB4]  }
0x2c: {  	s7 =	sld [smem:$0x3FB5]  }
0x2d: {  	s3 =	simm.s32 $0x108;
	s8 =	sld [smem:$0x3FB6]  }
0x2e: {  	s3 =	simm.s32 @!p0 $0x1082;
	s9 =	sld [smem:$0x3FB7]  }
0x2f: {  	lr =	sadd.s32 s0, s3;
	s0 =	sld [smem:$0x3FAE]  }
0x30: {  	s3 =	sld [smem:$0x3FB1]  }
0x31: {  	[smem:$0x3FBA] =	sst s10  }
0x32: {  	s10 =	sld [smem:$0x3FB8];
	_ =	sdelay $0x3  }
0x33: {  	p0 =	seq.s32 s10, $0x1;
	s10 =	sld [smem:$0x3FBA];
	_ =	sdelay $0x3  }
0x34: {  	[smem:$0x3FBA] =	sst s10  }
0x35: {  	s10 =	sld [smem:$0x3FB9];
	_ =	sdelay $0x3  }
0x36: {  	p1 =	seq.s32 s10, $0x1;
	s10 =	sld [smem:$0x3FBA];
	_ =	sdelay $0x3  }
0x37: {  	[smem:$0x3FBA] =	sst s10  }
0x38: {  	s10 =	sld [smem:$0x3FBB]  }
0x39: {  	_ = 	snop;
	(pc) =	sbr.ind lr, $3  }
0x3a: {  	_ = 	snop  }
0x3b: {  	_ = 	snop  }
0x3c: {  	p2 =	seq.s32 s10, $0x1;
	s10 =	sld [smem:$0x3FBA]  }
0x3d: {  	_ =	shalt  }
0x3e: {  	_ =	shalt  }
0x3f: {  	_ =	shalt  }
0x40: {  	_ =	shalt  }
0x41: {  	_ =	shalt  }
0x42: {  	_ =	shalt  }
0x43: {  	_ =	shalt  }
0x44: {  	_ =	shalt  }
0x45: {  	_ =	shalt  }
0x46: {  	_ =	shalt  }
0x47: {  	_ =	shalt  }
0x48: {  	_ =	shalt  }
0x49: {  	_ =	shalt  }
0x4a: {  	_ =	shalt  }
0x4b: {  	_ =	shalt  }
0x4c: {  	_ =	shalt  }
0x4d: {  	_ =	shalt  }
0x4e: {  	_ =	shalt  }
0x4f: {  	_ =	shalt  }
0x50: {  	_ =	shalt  }
0x51: {  	_ =	shalt  }
0x52: {  	_ =	shalt  }
0x53: {  	_ =	shalt  }
0x54: {  	_ =	shalt  }
0x55: {  	_ =	shalt  }
0x56: {  	_ =	shalt  }
0x57: {  	_ =	shalt  }
0x58: {  	_ =	shalt  }
0x59: {  	_ =	shalt  }
0x5a: {  	_ =	shalt  }
0x5b: {  	_ =	shalt  }
0x5c: {  	_ =	shalt  }
0x5d: {  	_ =	shalt  }
0x5e: {  	_ =	shalt  }
0x5f: {  	_ =	shalt  }
0x60: {  	_ =	shalt  }
0x61: {  	_ =	shalt  }
0x62: {  	_ =	shalt  }
0x63: {  	_ =	shalt  }
0x64: {  	_ =	shalt  }
0x65: {  	_ =	shalt  }
0x66: {  	_ =	shalt  }
0x67: {  	_ =	shalt  }
0x68: {  	_ =	shalt  }
0x69: {  	_ =	shalt  }
0x6a: {  	_ =	shalt  }
0x6b: {  	_ =	shalt  }
0x6c: {  	_ =	shalt  }
0x6d: {  	_ =	shalt  }
0x6e: {  	_ =	shalt  }
0x6f: {  	_ =	shalt  }
0x70: {  	_ =	shalt  }
0x71: {  	_ =	shalt  }
0x72: {  	_ =	shalt  }
0x73: {  	_ =	shalt  }
0x74: {  	_ =	shalt  }
0x75: {  	_ =	shalt  }
0x76: {  	_ =	shalt  }
0x77: {  	_ =	shalt  }
0x78: {  	_ =	shalt  }
0x79: {  	_ =	shalt  }
0x7a: {  	_ =	shalt  }
0x7b: {  	_ =	shalt  }
0x7c: {  	_ =	shalt  }
0x7d: {  	_ =	shalt  }
0x7e: {  	_ =	shalt  }
0x7f: {  	_ =	shalt  }
0x80: {  	_ =	shalt  }
0x81: {  	_ =	shalt  }
0x82: {  	_ =	shalt  }
0x83: {  	_ =	shalt  }
0x84: {  	_ =	shalt  }
0x85: {  	_ =	shalt  }
0x86: {  	_ =	shalt  }
0x87: {  	_ =	shalt  }
.Lfunc_end0:
.L_simem_size_0:
called_computation.1_lowered:
.L_overlay_start_0:
0x88: {  	s2 =	sld [smem:$0x3FD9]  }
0x89: {  	s3 =	sld [smem:$0x3FFE];
	_ =	sdelay $0x1  }
0x8a: {  	s1 =	srdreg.scid  }
0x8b: {  	s0 =	sand.u32 $0x1, s1  }
0x8c: {  	s17 =	sshll.u32 s0, $0xA;
	s2 =	sadd.s32 s3, s2  }
0x8d: {  	s2 =	sadd.s32 s2, s17  }
0x8e: {  	[smem:$0x3FC6] =	sst s2  }
0x8f: {  	_ = 	snop  }
0x90: {  	s2 =	sld [smem:$0x3FC8];
	(tm) =	ssettm $0x1  }
0x91: {  	s18 =	sld [smem:$0x3FFB];
	_ =	sdelay $0x3  }
0x92: {  	_ =	strace s18  }
0x93: {  	s3 =	sld [smem:$0x3FFC];
	_ =	sdelay $0x3  }
0x94: {  	_ =	strace s3  }
0x95: {  	s3 =	sld [smem:$0x3FFD];
	_ =	sdelay $0x3  }
0x96: {  	_ =	strace s3  }
0x97: {  	_ =	strace $0x8FFFFFFF  }
0x98: {  	s19 =	sld [smem:$0x3FDB];
	_ =	sdelay $0x1  }
0x99: {  	s4 =	simm.s32 $_scs_section_size  }
0x9a: {  	s5 =	simm.s32 $_size__tile_overlayer_lowered;
	s6 =	simm.s32 $_tile_overlayer_lowered  }
0x9b: {  	s22 =	simm.s32 $0x1BFF;
	s21 =	sshll.u32 s6, $0x1;
	s3 =	sadd.s32 s4, s19  }
0x9c: {  	s7 =	simm.s32 $0x0;
	s20 =	sshll.u32 s5, $0x1;
	s5 =	sadd.s32 s21, s3  }
0x9d: {  	[timem:s7], [sflag:s22] =	dma.local [hbm:s5], s20  }
0x9e: {  	_ =	swait.ge [sflag:s22], s20  }
0x9f: {  	s4 =	ssub.s32 $0x0, s20;
	[sflag:s22] =	ssyncset.done $0x0  }
0xa0: {  	[sflag:s22] =	ssyncadd.s32 s4;
	_ =	sdelay $0x1  }
0xa1: {  	s23 =	simm.s32 $0x1B8B  }
0xa2: {  	_ =	swait.ge [sflag:s23], $0x1  }
0xa3: {  	[sflag:s23] =	ssyncset.done $0x0  }
0xa4: {  	s25 =	simm.s32 $0x1B8E;
	s24 =	sld [smem:$0x3FFE];
	[sflag:s23] =	ssyncadd.s32 $0xFFFFFFFF  }
0xa5: {  	s26 =	simm.s32 $execute0_lowered;
	[smem:$0x3FD2] =	sst s25  }
0xa6: {  	s5 =	sshll.u32 s26, $0x1;
	_ =	strace $0x80000046;
	[dreg:$0x1] =	wrdreg $0xFFFFFFFF  }
0xa7: {  	s28 =	simm.s32 $_size_execute0_lowered;
	s3 =	sadd.s32 s3, s5;
	[dreg:$0x0] =	wrdreg $0x0  }
0xa8: {  	s5 =	sshll.u32 s28, $0x1;
	[dreg:$0x2] =	wrdreg s3  }
0xa9: {  	[dreg:$0x3] =	wrdreg s5  }
0xaa: {  	[dreg:$0x4] =	wrdreg $0xC0  }
0xab: {  	_ =	task [dreg:s7], $0x5FFFF  }
0xac: {  	[dreg:$0x1] =	wrdreg $0xFFFFFFFF  }
0xad: {  	[dreg:$0x0] =	wrdreg $0x60  }
0xae: {  	[dreg:$0x2] =	wrdreg s2  }
0xaf: {  	[dreg:$0x3] =	wrdreg s24  }
0xb0: {  	[dreg:$0x4] =	wrdreg $0x9  }
0xb1: {  	_ =	task.clear_ibuf [dreg:s7], $0x5FFFF;
	_ =	strace $0x90000046  }
0xb2: {  	s29 =	simm.s32 $0x9;
	_ =	strace $0x80000048  }
0xb3: {  	_ =	swait.ge [sflag:s29], $0x1  }
0xb4: {  	[sflag:s29] =	ssyncadd.s32 $0xFFFFFFFF  }
0xb5: {  	_ =	strace $0x90000048  }
0xb6: {  	_ =	sfence  }
0xb7: {  	s30 =	sld [smem:$0x0];
	_ =	sdelay $0x2  }
0xb8: {  	s31 =	sshll.u32 s1, $0xD;
	s1 =	sshrl.u32 s1, $0x2  }
0xb9: {  	s3 =	sand.u32 $0x4000, s31;
	s1 =	sadd.s32 s1, s30  }
0xba: {  	s0 =	sor.u32 s3, s0;
	s1 =	sshll.u32 s1, $0x11  }
0xbb: {  	s0 =	sor.u32 s1, s0  }
0xbc: {  	s0 =	sadd.s32 $0x8F2B, s0  }
0xbd: {  	[sflag:s0] =	ssyncadd.remote.s32 $0x1  }
0xbe: {  	_ =	sfence.sel $0xFFFF  }
0xbf: {  	[dreg:$0x0] =	wrdreg $0xFFFFFFFF;
	(pc) =	sbr.abs _section_cstart, $3  }
0xc0: {  	[dreg:$0x1] =	wrdreg $0xFFFFFFFF  }
0xc1: {  	_ =	task.clear_ibuf [dreg:s7], $0x2FFFF;
	_ =	strace $0x9FFFFFFF  }
0xc2: {  	(tm) =	ssettm $0x7FFFFFFF  }
0xc3: {  	_ =	shalt  }
tec
execute0_lowered:
.L_overlay_start_1:
0x0: {  	(tag) =	ssettag $0x1  }
0x1: {  	s2 =	rddreg [dreg:$0x0]  }
0x2: {  	s3 =	rddreg [dreg:$0x1];
	s1 =	stileid.u32  }
0x3: {  	s4 =	srdreg.scid;
	s0 =	rddreg [dreg:$0x2];
	_ =	strace $0x80000047  }
0x4: {  	s7 =	simm.s32 $0x1;
	s8 =	simm.s32 $0x1;
	s9 =	simm.s32 $0x3  }
0x5: {  	s10 =	simm.s32 $0x0;
	s5 =	sand.u32 $0x1, s4;
	s6 =	sshll.u32 s1, $0x1  }
0x6: {  	s13 =	simm.s32 $0x0;
	s4 =	simm.s32 $0x1;
	s5 =	sor.u32 s6, s5  }
.Ltmp0:
0x7: {  	[sflag:s4] =	ssyncpa.u1 $0x0;
	p0 =	slt.u32 s5, $0x13;
	(pc) =	sbr.rel .LBB2_1-.Ltmp0, $4  }
0x8: {  	s6 =	simm.s32 $0x2;
	s7 =	simm.s32 @!p0 $0x0;
	p0 =	sne.s32 s5, $0x12  }
0x9: {  	[sflag:s6] =	ssyncpa.u1 $0x0;
	s5 =	smul.u32 $0x190, s5;
	s8 =	simm.s32 @!p0 $0x0  }
0xa: {  	s12 =	simm.s32 $0x0;
	[sflag:s9] =	ssyncpa.u1 $0x0;
	s7 =	sadd.s32 s8, s7  }
0xb: {  	vm0 =	vmmov $0xffff;
	s8 =	sadd.s32 $0xA00, s3;
	s11 =	smov.u32 s5;
	s9 =	sadd.s32 $0x1, s7  }
.LBB2_4:
0xc: {  	v2 =	vnsel vm1, $0x0, v2  }
0xd: {  	vm1 =	vgt.s32 v0, $0x0;
	v2 =	vmin.u32 v2, $0x4E1F  }
0xe: {  	v0 =	vnsel vm1, $0x0, v0  }
0xf: {  	v0 =	vmin.u32 v0, $0x4E1F  }
0x10: {  	[tilespmem:s18], [sflag:$0x1] =	stream.indirect_vreg.gather [hbm4b:s2+s10], $0x1, v1, vm0, $0x4038;
	[tilespmem:$0x640] =	vst v63  }
0x11: {  	(ifvalue) =	ssetifvalue $0x7FFFFFFF  }
0x12: {  	[tilespmem:s15], [sflag:$0x1] =	stream.indirect_vreg.gather [hbm4b:s2+s10], $0x1, v2, vm0, $0x4038;
	[tilespmem:$0x640] =	vst v63  }
0x13: {  	s29 =	sadd.s32 $0x10, s15;
	(ifvalue) =	ssetifvalue $0x7FFFFFFF  }
0x14: {  	[tilespmem:s29], [sflag:$0x1] =	stream.indirect_vreg.gather [hbm4b:s2+s10], $0x1, v0, vm0, $0x4038;
	[tilespmem:$0x640] =	vst v63  }
0x15: {  	_ =	swait.ge [sflag:s4], $0x190  }
0x16: {  	s30 =	sshrl.u32 s13, $0x3;
	[sflag:s4] =	ssyncset.done $0x0  }
0x17: {  	s31 =	sand.u32 $0x7, s13;
	s15 =	sadd.s32 s8, s30;
	[sflag:s4] =	ssyncadd.s32 $0xFFFFFE70  }
0x18: {  	[hbm4b:s15+s31] =	stream.linear.scatter [tilespmem:s14], [sflag:$0x3], $0x190, $0x38;
	[tilespmem:$0x640] =	vst v63  }
.LBB2_5:
0x19: {  	s15 =	sadd.s32 $0x3200, s11  }
0x1a: {  	p1 =	sgt.s32 s15, $0x4E1F  }
0x1b: {  	s15 =	smov.u32 @p1 s5;
	p1 =	sne.s32 s12, s9  }
.Ltmp1:
0x1c: {  	p0 =	slt.u32 s12, $0x2;
	(pc) =	sbr.rel @!p1 .LBB2_6-.Ltmp1, $4  }
0x1d: {  	s14 =	simm.s32 @!p0 $0x3  }
0x1e: {  	_ =	swait.ge @!p0 [sflag:s14], $0x190  }
0x1f: {  	s16 =	sadd.s32 $0x1, s12;
	s13 =	smov.u32 s11;
	[sflag:s14] =	ssyncset.done @!p0 $0x0  }
0x20: {  	s12 =	smov.u32 s16;
	s11 =	smov.u32 s15;
	[sflag:s14] =	ssyncadd.s32 @!p0 $0xFFFFFE70  }
.LBB2_1:
0x21: {  	p0 =	sge.u32 s12, s7  }
0x22: {  	s14 =	sxor.u32 @!p0 $0x1, s12  }
0x23: {  	s14 =	smul.u32 @!p0 $0x640, s14  }
0x24: {  	s31 =	sadd.s32 $0xFFFFFFFF, s12;
	s15 =	sshrl.u32 @!p0 s11, $0x3  }
0x25: {  	s16 =	sand.u32 @!p0 $0x7, s11;
	s15 =	sadd.s32 @!p0 s3, s15;
	s14 =	sshra.s32 @!p0 s14, $0x2  }
0x26: {  	[tilespmem:s14], [sflag:$0x2] =	stream.linear.gather @!p0 [hbm4b:s15+s16], $0x190, $0x38;
	[tilespmem:$0x640] =	vst v63  }
0x27: {  	p0 =	sge.u32 s31, s7  }
.Ltmp2:
0x28: {  	_ = 	snop;
	(pc) =	sbr.rel @p0 .LBB2_5-.Ltmp2, $1  }
0x29: {  	_ =	sdelay $0x3  }
0x2a: {  	s14 =	sand.u32 $0x1, s12  }
0x2b: {  	_ =	swait.ge [sflag:s6], $0x190;
	p0 =	seq.s32 s14, $0x1;
	s14 =	simm.s32 $0x190  }
0x2c: {  	[sflag:s6] =	ssyncset.done $0x0;
	s14 =	simm.s32 @!p0 $0x0  }
0x2d: {  	[sflag:s6] =	ssyncadd.s32 $0xFFFFFE70;
	(ifvalue) =	ssetifvalue $0x7FFFFFFF;
	v0 =	vld.msk [tilespmem:s14+$0x0 ss:$0x1], $0xffff;
	_ =	sdelay $0x4  }
0x2e: {  	s15 =	sadd.s32 $0x10, s14;
	vm1 =	vgt.s32 v0, $0x0  }
0x2f: {  	v2 =	vld.msk [tilespmem:s15+$0x0 ss:$0x1], $0xffff;
	v1 =	vnsel vm1, $0x0, v0  }
0x30: {  	v1 =	vmin.u32 v1, $0x4E1F;
	_ =	sdelay $0x2  }
0x31: {  	s17 =	simm.s32 $0x20;
	s14 =	sadd.s32 $0x320, s14;
	s16 =	sadd.s32 $0x10, s15  }
0x32: {  	s15 =	sadd.s32 $0x10, s14;
	s18 =	smov.u32 s14;
	v0 =	vld.msk [tilespmem:s16+$0x0 ss:$0x1], $0xffff;
	vm1 =	vgt.s32 v2, $0x0;
	(ifvalue) =	ssetifvalue $0x7FFFFFFF  }
.LBB2_3:
0x33: {  	[tilespmem:s18], [sflag:$0x1] =	stream.indirect_vreg.gather [hbm4b:s2+s10], $0x1, v1, vm0, $0x4038;
	[tilespmem:$0x640] =	vst v63  }
0x34: {  	s17 =	sadd.s32 $0x10, s17  }
0x35: {  	v2 =	vnsel vm1, $0x0, v2;
	p0 =	slt.u32 s17, $0x180  }
.Ltmp3:
0x36: {  	s18 =	smov.u32 s15;
	v1 =	vmin.u32 v2, $0x4E1F;
	(pc) =	sbr.rel @p0 .LBB2_3-.Ltmp3, $3  }
0x37: {  	_ =	sdelay $0x1  }
0x38: {  	s16 =	sadd.s32 $0x10, s16  }
0x39: {  	vm1 =	vgt.s32 v0, $0x0;
	s15 =	sadd.s32 $0x10, s15;
	v2 =	vmov v0;
	(ifvalue) =	ssetifvalue $0x7FFFFFFF;
	v0 =	vld.msk [tilespmem:s16+$0x0 ss:$0x1], $0xffff  }
.Ltmp4:
0x3a: {  	_ = 	snop;
	(pc) =	sbr.rel .LBB2_4-.Ltmp4, $1  }
0x3b: {  	_ =	sdelay $0x3  }
.LBB2_6:
0x3c: {  	_ =	sfence.sel $0x180000  }
0x3d: {  	s2 =	simm.s32 $0x2;
	[bflag:$0x0] =	sbarrier.arrive $0xFFFF  }
0x3e: {  	s30 =	simm.s32 $0x3;
	[sflag:s2] =	ssyncpa.u1 $0x1  }
0x3f: {  	s31 =	simm.s32 $0x1;
	[sflag:s30] =	ssyncpa.u1 $0x1  }
0x40: {  	[sflag:s31] =	ssyncpa.u1 $0x1  }
0x41: {  	p0 =	sne.s32 s1, $0x0;
	_ =	strace $0x90000047  }
0x42: {  	s0 =	sadd.s32 @!p0 $0x100000, s0;
	[bflag:$0x2] =	sbarrier.arrive $0xFFFF  }
0x43: {  	[sflag:s0] =	ssyncadd.tile.s32 @!p0 $0x1;
	_ =	shalt  }
.Lfunc_end2:
_tile_overlayer_lowered:
.L_overlay_start_2:
0x44: {  	(tag) =	ssettag $0x2  }
0x45: {  	s0 =	rddreg [dreg:$0x0];
	s2 =	stileid.u32  }
0x46: {  	s1 =	rddreg [dreg:$0x1];
	p0 =	sne.s32 s2, $0x0  }
0x47: {  	s3 =	rddreg [dreg:$0x2];
	[bflag:$0x3] =	sbarrier.arrive $0xFFFF;
	s2 =	simm.s32 @!p0 $0x1C01  }
0x48: {  	[timem:s3], [sflag:s2] =	dma.local @!p0 [hbm:s0], s1  }
0x49: {  	s0 =	simm.s32 @!p0 $0x1  }
0x4a: {  	_ =	swait.ge @!p0 [sflag:s0], s1  }
0x4b: {  	s1 =	ssub.s32 @!p0 $0x0, s1;
	[sflag:s0] =	ssyncset.done @!p0 $0x0  }
0x4c: {  	[sflag:s0] =	ssyncadd.s32 @!p0 s1  }
0x4d: {  	[bflag:$0x3] =	sbarrier.arrive $0xFFFF  }
0x4e: {  	_ =	shalt  }

// kernel: gather_offload_async_start
scs
__scs_entry_jumppad:
0x0: {  	(pc) =	sbr.rel $0x88, $3  }
0x1: {  	(tag) =	ssettag $0x0;
	lr =	simm.s32 $0x1  }
0x2: {  	[smem:$0x3F9F] =	sst lr;
	_ =	strace $0xD0000000  }
0x3: {  	_ = 	snop  }
0x4: {  	_ = 	snop  }
0x5: {  	_ = 	snop  }
0x6: {  	_ = 	snop  }
0x7: {  	_ = 	snop  }
__scs_overlays_trampoline_lowered:
0x8: {  	[smem:$0x3FAE] =	sst s0  }
0x9: {  	[smem:$0x3FAF] =	sst s1  }
0xa: {  	[smem:$0x3FB0] =	sst s2  }
0xb: {  	[smem:$0x3FB1] =	sst s3  }
0xc: {  	[smem:$0x3FB2] =	sst s4  }
0xd: {  	[smem:$0x3FB3] =	sst s5  }
0xe: {  	[smem:$0x3FB4] =	sst s6  }
0xf: {  	[smem:$0x3FB5] =	sst s7  }
0x10: {  	[smem:$0x3FB6] =	sst s8  }
0x11: {  	[smem:$0x3FB7] =	sst s9;
	s0 =	simm.s32 @!p0 $0x0  }
0x12: {  	s1 =	sld [smem:$0x3F9D];
	s0 =	simm.s32 @p0 $0x1  }
0x13: {  	[smem:$0x3FB8] =	sst s0;
	s0 =	simm.s32 @!p1 $0x0  }
0x14: {  	s2 =	sld [smem:$0x3F9C];
	s0 =	simm.s32 @p1 $0x1  }
0x15: {  	[smem:$0x3FB9] =	sst s0;
	s0 =	simm.s32 @!p2 $0x0  }
0x16: {  	s3 =	sld [smem:$0x3FDB];
	s0 =	simm.s32 @p2 $0x1  }
0x17: {  	s4 =	simm.s32 $0x1BF5;
	[smem:$0x3FBB] =	sst s0  }
0x18: {  	s0 =	sld [smem:$0x3F9E];
	_ =	swait.ge [sflag:s4], $0x0  }
0x19: {  	s7 =	sld [smem:$0x3F9F]  }
0x1a: {  	s8 =	sadd.s32 $0xFFFFE003, lr  }
0x1b: {  	s9 =	sadd.s32 $0xFFFFFEF7, lr;
	s5 =	simm.s32 $0xFFFFFFFF;
	p2 =	slt.u32 s8, $0xFFFFF086  }
0x1c: {  	p1 =	slt.u32 s9, $0xF7A;
	s5 =	simm.s32 @!p2 $0x0  }
0x1d: {  	s5 =	simm.s32 @p1 $0x1;
	p0 =	seq.s32 s7, s2  }
0x1e: {  	s7 =	smul.u32 @!p0 $0xF7A, s2;
	p2 =	seq.s32 @!p0 s5, $0x0  }
0x1f: {  	s9 =	smul.u32 $0xF7A, s1;
	s8 =	simm.s32 @!p0 $0x1BF5;
	p2 =	por !p2, p0  }
0x20: {  	[sflag:s8] =	ssyncset.s32 @!p0 $0xFFFFF086;
	s6 =	sadd.s32 @!p0 s3, s7;
	s7 =	simm.s32 @!p0 $0x108  }
0x21: {  	s3 =	sadd.s32 s3, s9;
	s6 =	sadd.s32 @!p0 $0x88, s6;
	s7 =	simm.s32 @p2 $0x1082  }
0x22: {  	[simem:s7], [sflag:s8] =	dma.local @!p0 [hbm:s6], $0xF7A  }
0x23: {  	s9 =	sor.u32 $0xD0000000, s2;
	s6 =	simm.s32 $0x108;
	_ =	swait.ge @!p0 [sflag:s8], $0x0  }
0x24: {  	s3 =	sadd.s32 $0x88, s3;
	s6 =	simm.s32 @!p1 $0x1082;
	[sflag:s4] =	ssyncset.s32 $0xFFFFF086  }
0x25: {  	[simem:s6], [sflag:s4] =	dma.local [hbm:s3], $0xF7A  }
0x26: {  	[smem:$0x3F9F] =	sst s1;
	(tag) =	ssettag s2;
	_ =	strace s9  }
0x27: {  	s1 =	sld [smem:$0x3FAF]  }
0x28: {  	s2 =	sld [smem:$0x3FB0]  }
0x29: {  	s4 =	sld [smem:$0x3FB2]  }
0x2a: {  	p0 =	seq.s32 s5, $0x0;
	s5 =	sld [smem:$0x3FB3]  }
0x2b: {  	s6 =	sld [smem:$0x3FB4]  }
0x2c: {  	s7 =	sld [smem:$0x3FB5]  }
0x2d: {  	s3 =	simm.s32 $0x108;
	s8 =	sld [smem:$0x3FB6]  }
0x2e: {  	s3 =	simm.s32 @!p0 $0x1082;
	s9 =	sld [smem:$0x3FB7]  }
0x2f: {  	lr =	sadd.s32 s0, s3;
	s0 =	sld [smem:$0x3FAE]  }
0x30: {  	s3 =	sld [smem:$0x3FB1]  }
0x31: {  	[smem:$0x3FBA] =	sst s10  }
0x32: {  	s10 =	sld [smem:$0x3FB8];
	_ =	sdelay $0x3  }
0x33: {  	p0 =	seq.s32 s10, $0x1;
	s10 =	sld [smem:$0x3FBA];
	_ =	sdelay $0x3  }
0x34: {  	[smem:$0x3FBA] =	sst s10  }
0x35: {  	s10 =	sld [smem:$0x3FB9];
	_ =	sdelay $0x3  }
0x36: {  	p1 =	seq.s32 s10, $0x1;
	s10 =	sld [smem:$0x3FBA];
	_ =	sdelay $0x3  }
0x37: {  	[smem:$0x3FBA] =	sst s10  }
0x38: {  	s10 =	sld [smem:$0x3FBB]  }
0x39: {  	_ = 	snop;
	(pc) =	sbr.ind lr, $3  }
0x3a: {  	_ = 	snop  }
0x3b: {  	_ = 	snop  }
0x3c: {  	p2 =	seq.s32 s10, $0x1;
	s10 =	sld [smem:$0x3FBA]  }
0x3d: {  	_ =	shalt  }
0x3e: {  	_ =	shalt  }
0x3f: {  	_ =	shalt  }
0x40: {  	_ =	shalt  }
0x41: {  	_ =	shalt  }
0x42: {  	_ =	shalt  }
0x43: {  	_ =	shalt  }
0x44: {  	_ =	shalt  }
0x45: {  	_ =	shalt  }
0x46: {  	_ =	shalt  }
0x47: {  	_ =	shalt  }
0x48: {  	_ =	shalt  }
0x49: {  	_ =	shalt  }
0x4a: {  	_ =	shalt  }
0x4b: {  	_ =	shalt  }
0x4c: {  	_ =	shalt  }
0x4d: {  	_ =	shalt  }
0x4e: {  	_ =	shalt  }
0x4f: {  	_ =	shalt  }
0x50: {  	_ =	shalt  }
0x51: {  	_ =	shalt  }
0x52: {  	_ =	shalt  }
0x53: {  	_ =	shalt  }
0x54: {  	_ =	shalt  }
0x55: {  	_ =	shalt  }
0x56: {  	_ =	shalt  }
0x57: {  	_ =	shalt  }
0x58: {  	_ =	shalt  }
0x59: {  	_ =	shalt  }
0x5a: {  	_ =	shalt  }
0x5b: {  	_ =	shalt  }
0x5c: {  	_ =	shalt  }
0x5d: {  	_ =	shalt  }
0x5e: {  	_ =	shalt  }
0x5f: {  	_ =	shalt  }
0x60: {  	_ =	shalt  }
0x61: {  	_ =	shalt  }
0x62: {  	_ =	shalt  }
0x63: {  	_ =	shalt  }
0x64: {  	_ =	shalt  }
0x65: {  	_ =	shalt  }
0x66: {  	_ =	shalt  }
0x67: {  	_ =	shalt  }
0x68: {  	_ =	shalt  }
0x69: {  	_ =	shalt  }
0x6a: {  	_ =	shalt  }
0x6b: {  	_ =	shalt  }
0x6c: {  	_ =	shalt  }
0x6d: {  	_ =	shalt  }
0x6e: {  	_ =	shalt  }
0x6f: {  	_ =	shalt  }
0x70: {  	_ =	shalt  }
0x71: {  	_ =	shalt  }
0x72: {  	_ =	shalt  }
0x73: {  	_ =	shalt  }
0x74: {  	_ =	shalt  }
0x75: {  	_ =	shalt  }
0x76: {  	_ =	shalt  }
0x77: {  	_ =	shalt  }
0x78: {  	_ =	shalt  }
0x79: {  	_ =	shalt  }
0x7a: {  	_ =	shalt  }
0x7b: {  	_ =	shalt  }
0x7c: {  	_ =	shalt  }
0x7d: {  	_ =	shalt  }
0x7e: {  	_ =	shalt  }
0x7f: {  	_ =	shalt  }
0x80: {  	_ =	shalt  }
0x81: {  	_ =	shalt  }
0x82: {  	_ =	shalt  }
0x83: {  	_ =	shalt  }
0x84: {  	_ =	shalt  }
0x85: {  	_ =	shalt  }
0x86: {  	_ =	shalt  }
0x87: {  	_ =	shalt  }
.Lfunc_end0:
.L_simem_size_0:
called_computation_lowered:
.L_overlay_start_0:
0x88: {  	s2 =	sld [smem:$0x3FD9]  }
0x89: {  	s3 =	sld [smem:$0x3FFE];
	_ =	sdelay $0x1  }
0x8a: {  	s1 =	srdreg.scid  }
0x8b: {  	s0 =	sand.u32 $0x1, s1  }
0x8c: {  	s16 =	sshll.u32 s0, $0xA;
	s2 =	sadd.s32 s3, s2  }
0x8d: {  	s2 =	sadd.s32 s2, s16  }
0x8e: {  	[smem:$0x3FC6] =	sst s2  }
0x8f: {  	_ = 	snop  }
0x90: {  	(tm) =	ssettm $0x1  }
0x91: {  	s17 =	sld [smem:$0x3FFB];
	_ =	sdelay $0x3  }
0x92: {  	_ =	strace s17  }
0x93: {  	s2 =	sld [smem:$0x3FFC];
	_ =	sdelay $0x3  }
0x94: {  	_ =	strace s2  }
0x95: {  	s2 =	sld [smem:$0x3FFD];
	_ =	sdelay $0x3  }
0x96: {  	_ =	strace s2  }
0x97: {  	_ =	strace $0x8FFFFFFF  }
0x98: {  	s18 =	sld [smem:$0x3FDB];
	_ =	sdelay $0x1  }
0x99: {  	s19 =	simm.s32 $_scs_section_size  }
0x9a: {  	s4 =	simm.s32 $_size__tile_overlayer_lowered;
	s5 =	simm.s32 $_tile_overlayer_lowered  }
0x9b: {  	s22 =	simm.s32 $0x1BFF;
	s21 =	sshll.u32 s5, $0x1;
	s2 =	sadd.s32 s19, s18  }
0x9c: {  	s6 =	simm.s32 $0x0;
	s20 =	sshll.u32 s4, $0x1;
	s4 =	sadd.s32 s21, s2  }
0x9d: {  	[timem:s6], [sflag:s22] =	dma.local [hbm:s4], s20  }
0x9e: {  	_ =	swait.ge [sflag:s22], s20  }
0x9f: {  	s3 =	ssub.s32 $0x0, s20;
	[sflag:s22] =	ssyncset.done $0x0  }
0xa0: {  	[sflag:s22] =	ssyncadd.s32 s3;
	_ =	sdelay $0x1  }
0xa1: {  	s23 =	simm.s32 $0x1B8B  }
0xa2: {  	_ =	swait.ge [sflag:s23], $0x1  }
0xa3: {  	[sflag:s23] =	ssyncset.done $0x0  }
0xa4: {  	s25 =	simm.s32 $0x1B8E;
	s24 =	sld [smem:$0x3FFE];
	[sflag:s23] =	ssyncadd.s32 $0xFFFFFFFF  }
0xa5: {  	s26 =	simm.s32 $execute0_lowered;
	[smem:$0x3FD2] =	sst s25  }
0xa6: {  	s4 =	sshll.u32 s26, $0x1;
	_ =	strace $0x80000049;
	[dreg:$0x1] =	wrdreg $0xFFFFFFFF  }
0xa7: {  	s28 =	simm.s32 $_size_execute0_lowered;
	s2 =	sadd.s32 s2, s4;
	[dreg:$0x0] =	wrdreg $0x0  }
0xa8: {  	s4 =	sshll.u32 s28, $0x1;
	[dreg:$0x2] =	wrdreg s2  }
0xa9: {  	[dreg:$0x3] =	wrdreg s4  }
0xaa: {  	[dreg:$0x4] =	wrdreg $0xC0  }
0xab: {  	_ =	task [dreg:s6], $0x5FFFF  }
0xac: {  	[dreg:$0x1] =	wrdreg $0xFFFFFFFF  }
0xad: {  	[dreg:$0x0] =	wrdreg $0x60  }
0xae: {  	[dreg:$0x2] =	wrdreg s24  }
0xaf: {  	[dreg:$0x3] =	wrdreg $0x9  }
0xb0: {  	_ =	task.clear_ibuf [dreg:s6], $0x4FFFF;
	_ =	strace $0x90000049  }
0xb1: {  	s29 =	simm.s32 $0x9;
	_ =	strace $0x8000004B  }
0xb2: {  	_ =	swait.ge [sflag:s29], $0x1  }
0xb3: {  	[sflag:s29] =	ssyncadd.s32 $0xFFFFFFFF  }
0xb4: {  	_ =	strace $0x9000004B  }
0xb5: {  	_ =	sfence  }
0xb6: {  	s30 =	sld [smem:$0x0];
	_ =	sdelay $0x2  }
0xb7: {  	s31 =	sshll.u32 s1, $0xD;
	s1 =	sshrl.u32 s1, $0x2  }
0xb8: {  	s3 =	sand.u32 $0x4000, s31;
	s1 =	sadd.s32 s1, s30  }
0xb9: {  	s0 =	sor.u32 s3, s0;
	s1 =	sshll.u32 s1, $0x11  }
0xba: {  	s0 =	sor.u32 s1, s0  }
0xbb: {  	s0 =	sadd.s32 $0x8F2B, s0  }
0xbc: {  	[sflag:s0] =	ssyncadd.remote.s32 $0x1  }
0xbd: {  	_ =	sfence.sel $0xFFFF  }
0xbe: {  	[dreg:$0x0] =	wrdreg $0xFFFFFFFF;
	(pc) =	sbr.abs _section_cstart, $3  }
0xbf: {  	[dreg:$0x1] =	wrdreg $0xFFFFFFFF  }
0xc0: {  	_ =	task.clear_ibuf [dreg:s6], $0x2FFFF;
	_ =	strace $0x9FFFFFFF  }
0xc1: {  	(tm) =	ssettm $0x7FFFFFFF  }
tec
execute0_lowered:
.L_overlay_start_1:
0x0: {  	(tag) =	ssettag $0x1  }
0x1: {  	s0 =	srdreg.scid  }
0x2: {  	s1 =	sshll.u32 s0, $0x4  }
0x3: {  	s0 =	stileid.u32;
	s1 =	sand.u32 $0x10, s1  }
0x4: {  	s2 =	sor.u32 s0, s1  }
0x5: {  	s1 =	smin.u32 s2, $0x12  }
0x6: {  	s1 =	sadd.s32 s2, s1  }
0x7: {  	p0 =	slt.u32 s2, $0x12;
	s2 =	simm.s32 $0x320;
	s1 =	smul.u32 $0x190, s1  }
0x8: {  	s2 =	simm.s32 @!p0 $0x190  }
0x9: {  	s2 =	sadd.s32 s2, s1  }
0xa: {  	s3 =	smin.u32 s2, $0x4E20  }
0xb: {  	s7 =	ssub.s32 s3, s1  }
0xc: {  	p0 =	sgt.s32 s7, $0x0  }
0xd: {  	s7 =	simm.s32 @!p0 $0x0  }
0xe: {  	s31 =	sand.u32 $0xFFF0, s7  }
0xf: {  	s2 =	sshrl.u32 s31, $0x4  }
0x10: {  	s2 =	smul.u32 $0xA3E, s2  }
0x11: {  	s4 =	rddreg [dreg:$0x0];
	s6 =	simm.s32 $0x1  }
0x12: {  	s10 =	simm.s32 $0x3;
	s13 =	simm.s32 $0x0;
	s8 =	sshrl.u32 s2, $0x10  }
0x13: {  	s12 =	simm.s32 $0x0;
	s5 =	sadd.s32 $0x1400, s4;
	s9 =	smul.u32 $0x190, s8  }
.Ltmp0:
0x14: {  	s11 =	smov.u32 s1;
	s2 =	rddreg [dreg:$0x1];
	(pc) =	sbr.rel .LBB2_1-.Ltmp0, $4  }
0x15: {  	_ =	strace $0x8000004A;
	p0 =	sne.s32 s7, s9;
	s9 =	simm.s32 $0x1  }
0x16: {  	[sflag:s6] =	ssyncpa.u1 $0x0;
	s7 =	simm.s32 $0x2;
	s9 =	simm.s32 @!p0 $0x0  }
0x17: {  	[sflag:s7] =	ssyncpa.u1 $0x0;
	p0 =	por $0x0, $0x0;
	s8 =	sadd.s32 s8, s9  }
0x18: {  	vm0 =	vmmov $0xff;
	vm1 =	vcmask $0x3F20;
	s9 =	sadd.s32 $0x4F600, s4;
	[sflag:s10] =	ssyncpa.u1 $0x0;
	s10 =	sadd.s32 $0x1, s8  }
.LBB2_6:
0x19: {  	[hbm:s17] =	stream.linear.scatter [tilespmem:s14], [sflag:$0x3], $0x400, $0x38;
	[tilespmem:$0x19320] =	vst v63  }
.LBB2_7:
0x1a: {  	s13 =	sadd.s32 $0x190, s11  }
0x1b: {  	s15 =	smov.u32 s1;
	p2 =	slt.s32 s13, s3  }
0x1c: {  	s15 =	smov.u32 @p2 s13;
	p2 =	sne.s32 s12, s10  }
.Ltmp1:
0x1d: {  	p1 =	slt.u32 s12, $0x2;
	(pc) =	sbr.rel @!p2 .LBB2_8-.Ltmp1, $4  }
0x1e: {  	s14 =	simm.s32 @!p1 $0x3  }
0x1f: {  	s16 =	sadd.s32 $0x1, s12;
	_ =	swait.ge @!p1 [sflag:s14], $0xC800  }
0x20: {  	p0 =	por !p0, !p0;
	s13 =	smov.u32 s11;
	[sflag:s14] =	ssyncset.done @!p1 $0x0  }
0x21: {  	s12 =	smov.u32 s16;
	s11 =	smov.u32 s15;
	[sflag:s14] =	ssyncadd.s32 @!p1 $0xFFFF3800  }
.LBB2_1:
0x22: {  	p1 =	sge.u32 s12, s8  }
0x23: {  	s14 =	sxor.u32 @!p1 $0xFFFFFFFF, s12  }
0x24: {  	s14 =	sand.u32 @!p1 $0x1, s14  }
0x25: {  	s14 =	smul.u32 @!p1 $0x640, s14  }
0x26: {  	s31 =	sadd.s32 $0xFFFFFFFF, s12;
	s15 =	sshrl.u32 @!p1 s11, $0x3  }
0x27: {  	s16 =	sand.u32 @!p1 $0x7, s11;
	s15 =	sadd.s32 @!p1 s4, s15;
	s14 =	sshrl.u32 @!p1 s14, $0x2  }
0x28: {  	[tilespmem:s14], [sflag:$0x2] =	stream.linear.gather @!p1 [hbm4b:s15+s16], $0x190, $0x38;
	[tilespmem:$0x19320] =	vst v63  }
0x29: {  	p1 =	sge.u32 s31, s8  }
.Ltmp2:
0x2a: {  	_ = 	snop;
	(pc) =	sbr.rel @p1 .LBB2_7-.Ltmp2, $1  }
0x2b: {  	_ =	sdelay $0x3  }
0x2c: {  	s14 =	simm.s32 $0x1  }
0x2d: {  	s14 =	simm.s32 @!p0 $0x0  }
0x2e: {  	s15 =	smul.u32 $0x640, s14  }
0x2f: {  	_ =	swait.ge [sflag:s7], $0x190  }
0x30: {  	[sflag:s7] =	ssyncset.done $0x0;
	s16 =	sshrl.u32 s15, $0x2  }
0x31: {  	[sflag:s7] =	ssyncadd.s32 $0xFFFFFE70;
	s15 =	sadd.s32 $0x0, s16  }
0x32: {  	v0 =	vld.msk [tilespmem:s15+$0x0 ss:$0x1], $0xffff;
	_ =	sdelay $0x4  }
0x33: {  	vm2 =	vgt.s32 v0, $0x0  }
0x34: {  	v0 =	vnsel vm2, $0x0, v0  }
0x35: {  	v0 =	vmin.u32 v0, $0x4E1F  }
0x36: {  	v0 =	vshll.u32 v0, $0x4  }
0x37: {  	s14 =	smul.u32 $0x32000, s14;
	_ =	sdelay $0x1  }
0x38: {  	s14 =	sshrl.u32 s14, $0x2  }
0x39: {  	s14 =	sor.u32 $0x320, s14  }
0x3a: {  	[tilespmem:s14], [sflag:$0x1] =	stream.indirect_vreg.gather [hbm:s5], $0x80, v0, vm0, $0x38;
	[tilespmem:$0x19320] =	vst v63  }
0x3b: {  	s17 =	sadd.s32 $0x10, s16;
	s15 =	sadd.s32 $0x400, s14  }
0x3c: {  	[tilespmem:s15], [sflag:$0x1] =	stream.indirect_vreg.gather [hbm:s5], $0x80, v0, vm1, $0x38;
	[tilespmem:$0x19320] =	vst v63  }
0x3d: {  	s18 =	simm.s32 $0x80;
	v0 =	vld.msk [tilespmem:s17+$0x0 ss:$0x1], $0xffff;
	s17 =	smov.u32 s14  }
.LBB2_3:
0x3e: {  	p1 =	sne.s32 s18, $0x600;
	_ =	sdelay $0x4  }
0x3f: {  	vm2 =	vgt.s32 v0, $0x0  }
0x40: {  	v0 =	vnsel vm2, $0x0, v0  }
0x41: {  	v0 =	vmin.u32 v0, $0x4E1F  }
0x42: {  	v0 =	vshll.u32 v0, $0x4;
	_ =	sdelay $0x3  }
.Ltmp3:
0x43: {  	s19 =	sshra.s32 s18, $0x2;
	s17 =	sadd.s32 $0x800, s17;
	(pc) =	sbr.rel @p1 .LBB2_3-.Ltmp3, $4  }
0x44: {  	[tilespmem:s17], [sflag:$0x1] =	stream.indirect_vreg.gather [hbm:s5], $0x80, v0, vm0, $0x38;
	[tilespmem:$0x19320] =	vst v63  }
0x45: {  	s19 =	sadd.s32 s19, s16;
	s20 =	sadd.s32 $0x400, s17  }
0x46: {  	[tilespmem:s20], [sflag:$0x1] =	stream.indirect_vreg.gather [hbm:s5], $0x80, v0, vm1, $0x38;
	[tilespmem:$0x19320] =	vst v63  }
0x47: {  	s18 =	sadd.s32 $0x40, s18;
	v0 =	vld.msk [tilespmem:s19+$0x0 ss:$0x1], $0xffff  }
0x48: {  	_ =	sdelay $0x3  }
0x49: {  	vm2 =	vgt.s32 v0, $0x0  }
0x4a: {  	v0 =	vnsel vm2, $0x0, v0  }
0x4b: {  	v0 =	vmin.u32 v0, $0x4E1F  }
0x4c: {  	v0 =	vshll.u32 v0, $0x4;
	_ =	sdelay $0x3  }
0x4d: {  	s16 =	sadd.s32 $0x800, s17  }
0x4e: {  	[tilespmem:s16], [sflag:$0x1] =	stream.indirect_vreg.gather [hbm:s5], $0x80, v0, vm0, $0x38;
	[tilespmem:$0x19320] =	vst v63  }
0x4f: {  	s16 =	sadd.s32 $0x400, s16  }
0x50: {  	[tilespmem:s16], [sflag:$0x1] =	stream.indirect_vreg.gather [hbm:s5], $0x80, v0, vm1, $0x38;
	[tilespmem:$0x19320] =	vst v63  }
0x51: {  	s13 =	sshll.u32 s13, $0x4;
	_ =	swait.ge [sflag:s6], $0xC800  }
0x52: {  	s13 =	sadd.s32 s13, s9;
	[sflag:s6] =	ssyncset.done $0x0  }
0x53: {  	s17 =	sadd.s32 $0x0, s13;
	s16 =	simm.s32 $0x80;
	[sflag:s6] =	ssyncadd.s32 $0xFFFF3800  }
.LBB2_5:
0x54: {  	[hbm:s17] =	stream.linear.scatter [tilespmem:s14], [sflag:$0x3], $0x400, $0x38;
	[tilespmem:$0x19320] =	vst v63  }
0x55: {  	s17 =	smov.u32 s16;
	s14 =	smov.u32 s15;
	p1 =	sne.s32 s16, $0x1880  }
.Ltmp4:
0x56: {  	s16 =	sadd.s32 $0x80, s16;
	(pc) =	sbr.rel @p1 .LBB2_5-.Ltmp4, $2  }
0x57: {  	_ =	sdelay $0x2  }
0x58: {  	s15 =	sadd.s32 $0x400, s15;
	s17 =	sadd.s32 s17, s13  }
.Ltmp5:
0x59: {  	_ = 	snop;
	(pc) =	sbr.rel .LBB2_6-.Ltmp5, $1  }
0x5a: {  	_ =	sdelay $0x3  }
.LBB2_8:
0x5b: {  	_ =	sfence.sel $0x180000  }
0x5c: {  	s1 =	simm.s32 $0x2;
	[bflag:$0x0] =	sbarrier.arrive $0xFFFF  }
0x5d: {  	s30 =	simm.s32 $0x3;
	[sflag:s1] =	ssyncpa.u1 $0x1  }
0x5e: {  	s31 =	simm.s32 $0x1;
	[sflag:s30] =	ssyncpa.u1 $0x1  }
0x5f: {  	[sflag:s31] =	ssyncpa.u1 $0x1  }
0x60: {  	p0 =	sne.s32 s0, $0x0;
	_ =	strace $0x9000004A  }
0x61: {  	s0 =	sadd.s32 @!p0 $0x100000, s2;
	[bflag:$0x2] =	sbarrier.arrive $0xFFFF  }
0x62: {  	[sflag:s0] =	ssyncadd.tile.s32 @!p0 $0x1;
	_ =	shalt  }
.Lfunc_end2:
_tile_overlayer_lowered:
.L_overlay_start_2:
0x63: {  	(tag) =	ssettag $0x2  }
0x64: {  	s0 =	rddreg [dreg:$0x0];
	s2 =	stileid.u32  }
0x65: {  	s1 =	rddreg [dreg:$0x1];
	p0 =	sne.s32 s2, $0x0  }
0x66: {  	s3 =	rddreg [dreg:$0x2];
	[bflag:$0x3] =	sbarrier.arrive $0xFFFF;
	s2 =	simm.s32 @!p0 $0x1C01  }
0x67: {  	[timem:s3], [sflag:s2] =	dma.local @!p0 [hbm:s0], s1  }
0x68: {  	s0 =	simm.s32 @!p0 $0x1  }
0x69: {  	_ =	swait.ge @!p0 [sflag:s0], s1  }
0x6a: {  	s1 =	ssub.s32 @!p0 $0x0, s1;
	[sflag:s0] =	ssyncset.done @!p0 $0x0  }
0x6b: {  	[sflag:s0] =	ssyncadd.s32 @!p0 s1  }
0x6c: {  	[bflag:$0x3] =	sbarrier.arrive $0xFFFF  }
0x6d: {  	_ =	shalt  }

</sc_bundles>
